<compile_context>
chip_gen: v7x
topology: tpu7x:2x2x1
jax: 0.10.2.dev20260603
libtpu: 0.0.44.dev20260713+nightly
codegen_flags: <defaults>
</compile_context>

<pallas_src>
import functools

import jax
import jax.numpy as jnp
from jax import lax
from jax.experimental import pallas as pl
from jax.experimental.pallas import tpu as pltpu
from jax.experimental.pallas import tpu_sc as plsc

B = 4096
L = 200
N = B * L
CHAR_DIM = 64
SEG_DIM = 32
BICHAR_DIM = 64
OUT_DIM = CHAR_DIM + SEG_DIM + BICHAR_DIM
WIDE = 128
LANES = 16

NUM_CORES = 2
NUM_SUBCORES = 16
NW = NUM_CORES * NUM_SUBCORES
TOK_PER_W = N // NW

CHUNK = 80
N_CHUNKS = TOK_PER_W // CHUNK


def _widen(table):
    rows, dim = table.shape
    reps = WIDE // dim
    tr = 8000

    def body(t_ref, o_ref):
        row = t_ref[...]
        for r in range(reps):
            o_ref[:, r * dim:(r + 1) * dim] = row

    return pl.pallas_call(
        body,
        grid=(rows // tr,),
        in_specs=[pl.BlockSpec((tr, dim), lambda i: (i, 0))],
        out_specs=pl.BlockSpec((tr, WIDE), lambda i: (i, 0)),
        out_shape=jax.ShapeDtypeStruct((rows, WIDE), table.dtype),
    )(table)


def _mix_embed_sc(flat_c, flat_b, flat_s, char_W, bichar_W, seg_W):
    mesh = plsc.VectorSubcoreMesh(core_axis_name="c", subcore_axis_name="s")

    @functools.partial(
        pl.kernel,
        mesh=mesh,
        out_type=jax.ShapeDtypeStruct((N, OUT_DIM), jnp.float32),
        scratch_types=[
            pltpu.VMEM((2, CHUNK), jnp.int32),
            pltpu.VMEM((2, CHUNK), jnp.int32),
            pltpu.VMEM((2, CHUNK), jnp.int32),
            pltpu.VMEM((2, CHUNK, WIDE), jnp.float32),
            pltpu.VMEM((2, CHUNK, WIDE), jnp.float32),
            pltpu.VMEM((2, CHUNK, WIDE), jnp.float32),
            pltpu.VMEM((2, CHUNK, OUT_DIM), jnp.float32),
            pltpu.SemaphoreType.DMA((2,)),
            pltpu.SemaphoreType.DMA((2,)),
            pltpu.SemaphoreType.DMA((2,)),
        ],
    )
    def kern(chars_hbm, bichars_hbm, segs_hbm, charw_hbm, bicharw_hbm,
             segw_hbm, out_hbm, cidx_v, sidx_v, bidx_v, crow_v, srow_v,
             brow_v, row_v, sem_i, sem_g, sem_o):
        wid = lax.axis_index("s") * NUM_CORES + lax.axis_index("c")
        wbase = wid * TOK_PER_W

        def issue_idx(chunk, bank):
            base = wbase + chunk * CHUNK
            pltpu.async_copy(chars_hbm.at[pl.ds(base, CHUNK)],
                             cidx_v.at[bank], sem_i.at[bank])
            pltpu.async_copy(segs_hbm.at[pl.ds(base, CHUNK)],
                             sidx_v.at[bank], sem_i.at[bank])
            pltpu.async_copy(bichars_hbm.at[pl.ds(base, CHUNK)],
                             bidx_v.at[bank], sem_i.at[bank])

        def wait_idx(bank):
            for _ in range(3):
                pltpu.make_async_copy(
                    chars_hbm.at[pl.ds(0, CHUNK)], cidx_v.at[bank],
                    sem_i.at[bank]).wait()

        def issue_gathers(bank):
            pltpu.async_copy(charw_hbm.at[cidx_v.at[bank]], crow_v.at[bank],
                             sem_g.at[bank])
            pltpu.async_copy(segw_hbm.at[sidx_v.at[bank]], srow_v.at[bank],
                             sem_g.at[bank])
            pltpu.async_copy(bicharw_hbm.at[bidx_v.at[bank]],
                             brow_v.at[bank], sem_g.at[bank])

        def wait_gathers(bank):
            pltpu.make_async_copy(
                charw_hbm.at[pl.ds(0, CHUNK)], crow_v.at[bank],
                sem_g.at[bank]).wait()
            pltpu.make_async_copy(
                segw_hbm.at[pl.ds(0, CHUNK)], srow_v.at[bank],
                sem_g.at[bank]).wait()
            pltpu.make_async_copy(
                bicharw_hbm.at[pl.ds(0, CHUNK)], brow_v.at[bank],
                sem_g.at[bank]).wait()

        def assemble(bank):
            def per_token(i, carry2):
                for k in range(CHAR_DIM // LANES):
                    row_v[bank, i, pl.ds(k * LANES, LANES)] = (
                        crow_v[bank, i, pl.ds(k * LANES, LANES)])
                for k in range(SEG_DIM // LANES):
                    row_v[bank, i, pl.ds(CHAR_DIM + k * LANES, LANES)] = (
                        srow_v[bank, i, pl.ds(k * LANES, LANES)])
                for k in range(BICHAR_DIM // LANES):
                    row_v[bank, i,
                          pl.ds(CHAR_DIM + SEG_DIM + k * LANES,
                                LANES)] = brow_v[bank, i,
                                                 pl.ds(k * LANES, LANES)]
                return carry2

            lax.fori_loop(0, CHUNK, per_token, 0)

        def issue_out(chunk, bank):
            base = wbase + chunk * CHUNK
            pltpu.async_copy(
                row_v.at[bank], out_hbm.at[pl.ds(base, CHUNK)],
                sem_o.at[bank])

        def wait_out(bank):
            pltpu.make_async_copy(
                out_hbm.at[pl.ds(0, CHUNK)], row_v.at[bank],
                sem_o.at[bank]).wait()

        issue_idx(0, 0)
        issue_idx(1, 1)
        wait_idx(0)
        issue_gathers(0)

        def steady(g, carry):
            q = lax.rem(g, 2)
            qn = 1 - q
            wait_gathers(q)
            wait_idx(qn)
            issue_gathers(qn)

            @pl.when(g >= 2)
            def _():
                wait_out(q)

            assemble(q)
            issue_idx(g + 2, q)
            issue_out(g, q)
            return carry

        lax.fori_loop(0, N_CHUNKS - 2, steady, 0)

        for g in (N_CHUNKS - 2, N_CHUNKS - 1):
            q = g % 2
            wait_gathers(q)
            if g == N_CHUNKS - 2:
                wait_idx(1 - q)
                issue_gathers(1 - q)
            wait_out(q)
            assemble(q)
            issue_out(g, q)
        wait_out(N_CHUNKS % 2)
        wait_out(1 - (N_CHUNKS % 2))

    return kern(flat_c, flat_b, flat_s, char_W, bichar_W, seg_W)


@jax.jit
def kernel(pad_chars, pad_bichars, pad_segs, char_W, bichar_W, seg_W):
    flat_c = pad_chars.reshape(-1).astype(jnp.int32)
    flat_b = pad_bichars.reshape(-1).astype(jnp.int32)
    flat_s = pad_segs.reshape(-1).astype(jnp.int32)
    char_W2 = jnp.concatenate([char_W, char_W], axis=1)
    bichar_W2 = _widen(bichar_W)
    seg_W4 = jnp.concatenate([seg_W, seg_W, seg_W, seg_W], axis=1)
    out = _mix_embed_sc(flat_c, flat_b, flat_s, char_W2, bichar_W2, seg_W4)
    return out.reshape(B, L, OUT_DIM)

# --- scband reference (transcript-rebuilt; emitter-appended) ---
"""Pipeline reference for scband-mix-embedding-19507741458568 (READ-ONLY COPY).

The authoritative reference and input builder live on the scoring server;
editing this copy changes nothing except your own understanding.
"""

import jax, jax.numpy as jnp
import numpy as np

CHAR_VOCAB = 100000
CHAR_DIM = 64
BICHAR_VOCAB = 1000000
BICHAR_DIM = 64
SEG_VOCAB = 1000
SEG_DIM = 32
B = 4096
L = 200


def setup_inputs(seed: int = 0) -> dict:
    key = jax.random.key(seed)
    k1, k2, k3, k4, k5, k6 = jax.random.split(key, 6)
    pad_chars = jax.random.randint(k1, (B, L), 0, CHAR_VOCAB, dtype=jnp.int64 if jax.config.jax_enable_x64 else jnp.int32)
    pad_bichars = jax.random.randint(k2, (B, L), 0, BICHAR_VOCAB, dtype=jnp.int64 if jax.config.jax_enable_x64 else jnp.int32)
    pad_segs = jax.random.randint(k3, (B, L), 0, SEG_VOCAB, dtype=jnp.int64 if jax.config.jax_enable_x64 else jnp.int32)
    char_W = jax.random.normal(k4, (CHAR_VOCAB, CHAR_DIM), dtype=jnp.float32)
    bichar_W = jax.random.normal(k5, (BICHAR_VOCAB, BICHAR_DIM), dtype=jnp.float32)
    seg_W = jax.random.normal(k6, (SEG_VOCAB, SEG_DIM), dtype=jnp.float32)
    return {
        "pad_chars": pad_chars,
        "pad_bichars": pad_bichars,
        "pad_segs": pad_segs,
        "char_W": char_W,
        "bichar_W": bichar_W,
        "seg_W": seg_W,
    }


def reference(pad_chars, pad_bichars, pad_segs, char_W, bichar_W, seg_W):
    # Faithful translation of MixEmbedding.forward with bichar_embeds present:
    # cat([char_embeds(pad_chars), seg_embeds(pad_segs), bichar_embeds(pad_bichars)], dim=2)
    char_e = jnp.take(char_W, pad_chars, axis=0)
    seg_e = jnp.take(seg_W, pad_segs, axis=0)
    bichar_e = jnp.take(bichar_W, pad_bichars, axis=0)
    final_embs = jnp.concatenate([char_e, seg_e, bichar_e], axis=2)
    return final_embs

if __name__ == "__main__":
    import jax
    _d = setup_inputs()
    print(jax.jit(kernel)(*tuple(_d.values())))

</pallas_src>

<mosaic_0001>
#map = affine_map<(d0, d1) -> (0)>
#map1 = affine_map<(d0, d1) -> (0, 0)>
module attributes {stable_mosaic.version = 14 : i64} {
  func.func @kern(%arg0: i32, %arg1: i32, %arg2: memref<819200xi32, #tpu.memory_space<hbm>>, %arg3: memref<819200xi32, #tpu.memory_space<hbm>>, %arg4: memref<819200xi32, #tpu.memory_space<hbm>>, %arg5: memref<100000x128xf32, #tpu.memory_space<hbm>>, %arg6: memref<1000000x128xf32, #tpu.memory_space<hbm>>, %arg7: memref<1000x128xf32, #tpu.memory_space<hbm>>, %arg8: memref<819200x160xf32, #tpu.memory_space<hbm>>, %arg9: memref<2x80xi32, #tpu.memory_space<vmem>>, %arg10: memref<2x80xi32, #tpu.memory_space<vmem>>, %arg11: memref<2x80xi32, #tpu.memory_space<vmem>>, %arg12: memref<2x80x128xf32, #tpu.memory_space<vmem>>, %arg13: memref<2x80x128xf32, #tpu.memory_space<vmem>>, %arg14: memref<2x80x128xf32, #tpu.memory_space<vmem>>, %arg15: memref<2x80x160xf32, #tpu.memory_space<vmem>>, %arg16: memref<2x!tpu.dma_semaphore, #tpu.memory_space<semaphore_mem>>, %arg17: memref<2x!tpu.dma_semaphore, #tpu.memory_space<semaphore_mem>>, %arg18: memref<2x!tpu.dma_semaphore, #tpu.memory_space<semaphore_mem>>) attributes {dimension_semantics = [#tpu.dimension_semantics<core_parallel>, #tpu.dimension_semantics<subcore_parallel>], iteration_bounds = array<i64: 2, 16>, scalar_prefetch = 0 : i64, scratch_operands = 10 : i64, tpu.core_type = #tpu.core_type<sc_vector_subcore>, window_params = [{transform_indices = #map}, {transform_indices = #map}, {transform_indices = #map}, {transform_indices = #map1}, {transform_indices = #map1}, {transform_indices = #map1}, {transform_indices = #map1}]} {
    %mul3A = arith.constant 2 : i32
    %mul3A_0 = arith.muli %arg1, %mul3A : i32
    %add3A = arith.addi %mul3A_0, %arg0 : i32
    %mul3A_1 = arith.constant 25600 : i32
    %mul3A_2 = arith.muli %add3A, %mul3A_1 : i32
    %add3A_3 = arith.constant 0 : i32
    %add3A_4 = arith.addi %mul3A_2, %add3A_3 : i32
    %dma_start3A = arith.constant 0 : i32
    %dma_start3A_5 = arith.constant 0 : i32
    %dma_start3A_6 = arith.constant 0 : i32
    %dma_start3A_7 = tpu.memref_slice %arg9[%dma_start3A, %dma_start3A_6] : memref<2x80xi32, #tpu.memory_space<vmem>> -> memref<1x80xi32, #tpu.memory_space<vmem>>
    %dma_start3A_8 = tpu.memref_squeeze %dma_start3A_7 : memref<1x80xi32, #tpu.memory_space<vmem>> -> memref<80xi32, #tpu.memory_space<vmem>>
    %dma_start3A_9 = tpu.memref_slice %arg2[%add3A_4] : memref<819200xi32, #tpu.memory_space<hbm>> -> memref<80xi32, #tpu.memory_space<hbm>>
    %dma_start3A_10 = tpu.memref_slice %arg16[%dma_start3A_5] : memref<2x!tpu.dma_semaphore, #tpu.memory_space<semaphore_mem>> -> memref<1x!tpu.dma_semaphore, #tpu.memory_space<semaphore_mem>>
    %dma_start3A_11 = tpu.memref_squeeze %dma_start3A_10 : memref<1x!tpu.dma_semaphore, #tpu.memory_space<semaphore_mem>> -> memref<!tpu.dma_semaphore, #tpu.memory_space<semaphore_mem>>
    %dma_start3A_12 = arith.constant 0 : i32
    %dma_start3A_13 = tpu.memref_slice %arg9[%dma_start3A, %dma_start3A_12] : memref<2x80xi32, #tpu.memory_space<vmem>> -> memref<1x80xi32, #tpu.memory_space<vmem>>
    %dma_start3A_14 = tpu.memref_squeeze %dma_start3A_13 : memref<1x80xi32, #tpu.memory_space<vmem>> -> memref<80xi32, #tpu.memory_space<vmem>>
    %dma_start3A_15 = tpu.memref_slice %arg2[%add3A_4] : memref<819200xi32, #tpu.memory_space<hbm>> -> memref<80xi32, #tpu.memory_space<hbm>>
    tpu.enqueue_dma source(%dma_start3A_15 : memref<80xi32, #tpu.memory_space<hbm>>) target(%dma_start3A_14 : memref<80xi32, #tpu.memory_space<vmem>>) target_semaphore(%dma_start3A_11 : memref<!tpu.dma_semaphore, #tpu.memory_space<semaphore_mem>>)
    %dma_start3A_16 = arith.constant 0 : i32
    %dma_start3A_17 = arith.constant 0 : i32
    %dma_start3A_18 = arith.constant 0 : i32
    %dma_start3A_19 = tpu.memref_slice %arg10[%dma_start3A_16, %dma_start3A_18] : memref<2x80xi32, #tpu.memory_space<vmem>> -> memref<1x80xi32, #tpu.memory_space<vmem>>
    %dma_start3A_20 = tpu.memref_squeeze %dma_start3A_19 : memref<1x80xi32, #tpu.memory_space<vmem>> -> memref<80xi32, #tpu.memory_space<vmem>>
    %dma_start3A_21 = tpu.memref_slice %arg4[%add3A_4] : memref<819200xi32, #tpu.memory_space<hbm>> -> memref<80xi32, #tpu.memory_space<hbm>>
    %dma_start3A_22 = tpu.memref_slice %arg16[%dma_start3A_17] : memref<2x!tpu.dma_semaphore, #tpu.memory_space<semaphore_mem>> -> memref<1x!tpu.dma_semaphore, #tpu.memory_space<semaphore_mem>>
    %dma_start3A_23 = tpu.memref_squeeze %dma_start3A_22 : memref<1x!tpu.dma_semaphore, #tpu.memory_space<semaphore_mem>> -> memref<!tpu.dma_semaphore, #tpu.memory_space<semaphore_mem>>
    %dma_start3A_24 = arith.constant 0 : i32
    %dma_start3A_25 = tpu.memref_slice %arg10[%dma_start3A_16, %dma_start3A_24] : memref<2x80xi32, #tpu.memory_space<vmem>> -> memref<1x80xi32, #tpu.memory_space<vmem>>
    %dma_start3A_26 = tpu.memref_squeeze %dma_start3A_25 : memref<1x80xi32, #tpu.memory_space<vmem>> -> memref<80xi32, #tpu.memory_space<vmem>>
    %dma_start3A_27 = tpu.memref_slice %arg4[%add3A_4] : memref<819200xi32, #tpu.memory_space<hbm>> -> memref<80xi32, #tpu.memory_space<hbm>>
    tpu.enqueue_dma source(%dma_start3A_27 : memref<80xi32, #tpu.memory_space<hbm>>) target(%dma_start3A_26 : memref<80xi32, #tpu.memory_space<vmem>>) target_semaphore(%dma_start3A_23 : memref<!tpu.dma_semaphore, #tpu.memory_space<semaphore_mem>>)
    %dma_start3A_28 = arith.constant 0 : i32
    %dma_start3A_29 = arith.constant 0 : i32
    %dma_start3A_30 = arith.constant 0 : i32
    %dma_start3A_31 = tpu.memref_slice %arg11[%dma_start3A_28, %dma_start3A_30] : memref<2x80xi32, #tpu.memory_space<vmem>> -> memref<1x80xi32, #tpu.memory_space<vmem>>
    %dma_start3A_32 = tpu.memref_squeeze %dma_start3A_31 : memref<1x80xi32, #tpu.memory_space<vmem>> -> memref<80xi32, #tpu.memory_space<vmem>>
    %dma_start3A_33 = tpu.memref_slice %arg3[%add3A_4] : memref<819200xi32, #tpu.memory_space<hbm>> -> memref<80xi32, #tpu.memory_space<hbm>>
    %dma_start3A_34 = tpu.memref_slice %arg16[%dma_start3A_29] : memref<2x!tpu.dma_semaphore, #tpu.memory_space<semaphore_mem>> -> memref<1x!tpu.dma_semaphore, #tpu.memory_space<semaphore_mem>>
    %dma_start3A_35 = tpu.memref_squeeze %dma_start3A_34 : memref<1x!tpu.dma_semaphore, #tpu.memory_space<semaphore_mem>> -> memref<!tpu.dma_semaphore, #tpu.memory_space<semaphore_mem>>
    %dma_start3A_36 = arith.constant 0 : i32
    %dma_start3A_37 = tpu.memref_slice %arg11[%dma_start3A_28, %dma_start3A_36] : memref<2x80xi32, #tpu.memory_space<vmem>> -> memref<1x80xi32, #tpu.memory_space<vmem>>
    %dma_start3A_38 = tpu.memref_squeeze %dma_start3A_37 : memref<1x80xi32, #tpu.memory_space<vmem>> -> memref<80xi32, #tpu.memory_space<vmem>>
    %dma_start3A_39 = tpu.memref_slice %arg3[%add3A_4] : memref<819200xi32, #tpu.memory_space<hbm>> -> memref<80xi32, #tpu.memory_space<hbm>>
    tpu.enqueue_dma source(%dma_start3A_39 : memref<80xi32, #tpu.memory_space<hbm>>) target(%dma_start3A_38 : memref<80xi32, #tpu.memory_space<vmem>>) target_semaphore(%dma_start3A_35 : memref<!tpu.dma_semaphore, #tpu.memory_space<semaphore_mem>>)
    %add3A_40 = arith.constant 80 : i32
    %add3A_41 = arith.addi %mul3A_2, %add3A_40 : i32
    %dma_start3A_42 = arith.constant 1 : i32
    %dma_start3A_43 = arith.constant 1 : i32
    %dma_start3A_44 = arith.constant 0 : i32
    %dma_start3A_45 = tpu.memref_slice %arg9[%dma_start3A_42, %dma_start3A_44] : memref<2x80xi32, #tpu.memory_space<vmem>> -> memref<1x80xi32, #tpu.memory_space<vmem>>
    %dma_start3A_46 = tpu.memref_squeeze %dma_start3A_45 : memref<1x80xi32, #tpu.memory_space<vmem>> -> memref<80xi32, #tpu.memory_space<vmem>>
    %dma_start3A_47 = tpu.memref_slice %arg2[%add3A_41] : memref<819200xi32, #tpu.memory_space<hbm>> -> memref<80xi32, #tpu.memory_space<hbm>>
    %dma_start3A_48 = tpu.memref_slice %arg16[%dma_start3A_43] : memref<2x!tpu.dma_semaphore, #tpu.memory_space<semaphore_mem>> -> memref<1x!tpu.dma_semaphore, #tpu.memory_space<semaphore_mem>>
    %dma_start3A_49 = tpu.memref_squeeze %dma_start3A_48 : memref<1x!tpu.dma_semaphore, #tpu.memory_space<semaphore_mem>> -> memref<!tpu.dma_semaphore, #tpu.memory_space<semaphore_mem>>
    %dma_start3A_50 = arith.constant 0 : i32
    %dma_start3A_51 = tpu.memref_slice %arg9[%dma_start3A_42, %dma_start3A_50] : memref<2x80xi32, #tpu.memory_space<vmem>> -> memref<1x80xi32, #tpu.memory_space<vmem>>
    %dma_start3A_52 = tpu.memref_squeeze %dma_start3A_51 : memref<1x80xi32, #tpu.memory_space<vmem>> -> memref<80xi32, #tpu.memory_space<vmem>>
    %dma_start3A_53 = tpu.memref_slice %arg2[%add3A_41] : memref<819200xi32, #tpu.memory_space<hbm>> -> memref<80xi32, #tpu.memory_space<hbm>>
    tpu.enqueue_dma source(%dma_start3A_53 : memref<80xi32, #tpu.memory_space<hbm>>) target(%dma_start3A_52 : memref<80xi32, #tpu.memory_space<vmem>>) target_semaphore(%dma_start3A_49 : memref<!tpu.dma_semaphore, #tpu.memory_space<semaphore_mem>>)
    %dma_start3A_54 = arith.constant 1 : i32
    %dma_start3A_55 = arith.constant 1 : i32
    %dma_start3A_56 = arith.constant 0 : i32
    %dma_start3A_57 = tpu.memref_slice %arg10[%dma_start3A_54, %dma_start3A_56] : memref<2x80xi32, #tpu.memory_space<vmem>> -> memref<1x80xi32, #tpu.memory_space<vmem>>
    %dma_start3A_58 = tpu.memref_squeeze %dma_start3A_57 : memref<1x80xi32, #tpu.memory_space<vmem>> -> memref<80xi32, #tpu.memory_space<vmem>>
    %dma_start3A_59 = tpu.memref_slice %arg4[%add3A_41] : memref<819200xi32, #tpu.memory_space<hbm>> -> memref<80xi32, #tpu.memory_space<hbm>>
    %dma_start3A_60 = tpu.memref_slice %arg16[%dma_start3A_55] : memref<2x!tpu.dma_semaphore, #tpu.memory_space<semaphore_mem>> -> memref<1x!tpu.dma_semaphore, #tpu.memory_space<semaphore_mem>>
    %dma_start3A_61 = tpu.memref_squeeze %dma_start3A_60 : memref<1x!tpu.dma_semaphore, #tpu.memory_space<semaphore_mem>> -> memref<!tpu.dma_semaphore, #tpu.memory_space<semaphore_mem>>
    %dma_start3A_62 = arith.constant 0 : i32
    %dma_start3A_63 = tpu.memref_slice %arg10[%dma_start3A_54, %dma_start3A_62] : memref<2x80xi32, #tpu.memory_space<vmem>> -> memref<1x80xi32, #tpu.memory_space<vmem>>
    %dma_start3A_64 = tpu.memref_squeeze %dma_start3A_63 : memref<1x80xi32, #tpu.memory_space<vmem>> -> memref<80xi32, #tpu.memory_space<vmem>>
    %dma_start3A_65 = tpu.memref_slice %arg4[%add3A_41] : memref<819200xi32, #tpu.memory_space<hbm>> -> memref<80xi32, #tpu.memory_space<hbm>>
    tpu.enqueue_dma source(%dma_start3A_65 : memref<80xi32, #tpu.memory_space<hbm>>) target(%dma_start3A_64 : memref<80xi32, #tpu.memory_space<vmem>>) target_semaphore(%dma_start3A_61 : memref<!tpu.dma_semaphore, #tpu.memory_space<semaphore_mem>>)
    %dma_start3A_66 = arith.constant 1 : i32
    %dma_start3A_67 = arith.constant 1 : i32
    %dma_start3A_68 = arith.constant 0 : i32
    %dma_start3A_69 = tpu.memref_slice %arg11[%dma_start3A_66, %dma_start3A_68] : memref<2x80xi32, #tpu.memory_space<vmem>> -> memref<1x80xi32, #tpu.memory_space<vmem>>
    %dma_start3A_70 = tpu.memref_squeeze %dma_start3A_69 : memref<1x80xi32, #tpu.memory_space<vmem>> -> memref<80xi32, #tpu.memory_space<vmem>>
    %dma_start3A_71 = tpu.memref_slice %arg3[%add3A_41] : memref<819200xi32, #tpu.memory_space<hbm>> -> memref<80xi32, #tpu.memory_space<hbm>>
    %dma_start3A_72 = tpu.memref_slice %arg16[%dma_start3A_67] : memref<2x!tpu.dma_semaphore, #tpu.memory_space<semaphore_mem>> -> memref<1x!tpu.dma_semaphore, #tpu.memory_space<semaphore_mem>>
    %dma_start3A_73 = tpu.memref_squeeze %dma_start3A_72 : memref<1x!tpu.dma_semaphore, #tpu.memory_space<semaphore_mem>> -> memref<!tpu.dma_semaphore, #tpu.memory_space<semaphore_mem>>
    %dma_start3A_74 = arith.constant 0 : i32
    %dma_start3A_75 = tpu.memref_slice %arg11[%dma_start3A_66, %dma_start3A_74] : memref<2x80xi32, #tpu.memory_space<vmem>> -> memref<1x80xi32, #tpu.memory_space<vmem>>
    %dma_start3A_76 = tpu.memref_squeeze %dma_start3A_75 : memref<1x80xi32, #tpu.memory_space<vmem>> -> memref<80xi32, #tpu.memory_space<vmem>>
    %dma_start3A_77 = tpu.memref_slice %arg3[%add3A_41] : memref<819200xi32, #tpu.memory_space<hbm>> -> memref<80xi32, #tpu.memory_space<hbm>>
    tpu.enqueue_dma source(%dma_start3A_77 : memref<80xi32, #tpu.memory_space<hbm>>) target(%dma_start3A_76 : memref<80xi32, #tpu.memory_space<vmem>>) target_semaphore(%dma_start3A_73 : memref<!tpu.dma_semaphore, #tpu.memory_space<semaphore_mem>>)
    %dma_wait3A = arith.constant 0 : i32
    %dma_wait3A_78 = arith.constant 0 : i32
    %dma_wait3A_79 = arith.constant 0 : i32
    %dma_wait3A_80 = tpu.memref_slice %arg9[%dma_wait3A, %dma_wait3A_79] : memref<2x80xi32, #tpu.memory_space<vmem>> -> memref<1x80xi32, #tpu.memory_space<vmem>>
    %dma_wait3A_81 = tpu.memref_squeeze %dma_wait3A_80 : memref<1x80xi32, #tpu.memory_space<vmem>> -> memref<80xi32, #tpu.memory_space<vmem>>
    %dma_wait3A_82 = arith.constant 0 : i32
    %dma_wait3A_83 = tpu.memref_slice %arg2[%dma_wait3A_82] : memref<819200xi32, #tpu.memory_space<hbm>> -> memref<80xi32, #tpu.memory_space<hbm>>
    %dma_wait3A_84 = tpu.memref_slice %arg16[%dma_wait3A_78] : memref<2x!tpu.dma_semaphore, #tpu.memory_space<semaphore_mem>> -> memref<1x!tpu.dma_semaphore, #tpu.memory_space<semaphore_mem>>
    %dma_wait3A_85 = tpu.memref_squeeze %dma_wait3A_84 : memref<1x!tpu.dma_semaphore, #tpu.memory_space<semaphore_mem>> -> memref<!tpu.dma_semaphore, #tpu.memory_space<semaphore_mem>>
    %dma_wait3A_86 = arith.constant 0 : i32
    %dma_wait3A_87 = tpu.memref_slice %arg9[%dma_wait3A, %dma_wait3A_86] : memref<2x80xi32, #tpu.memory_space<vmem>> -> memref<1x80xi32, #tpu.memory_space<vmem>>
    %dma_wait3A_88 = tpu.memref_squeeze %dma_wait3A_87 : memref<1x80xi32, #tpu.memory_space<vmem>> -> memref<80xi32, #tpu.memory_space<vmem>>
    %dma_wait3A_89 = arith.constant 0 : i32
    %dma_wait3A_90 = tpu.memref_slice %arg2[%dma_wait3A_89] : memref<819200xi32, #tpu.memory_space<hbm>> -> memref<80xi32, #tpu.memory_space<hbm>>
    tpu.wait_dma2 semaphore(%dma_wait3A_85 : memref<!tpu.dma_semaphore, #tpu.memory_space<semaphore_mem>>) src(%dma_wait3A_90 : memref<80xi32, #tpu.memory_space<hbm>>) dst(%dma_wait3A_88 : memref<80xi32, #tpu.memory_space<vmem>>)
    %dma_wait3A_91 = arith.constant 0 : i32
    %dma_wait3A_92 = arith.constant 0 : i32
    %dma_wait3A_93 = arith.constant 0 : i32
    %dma_wait3A_94 = tpu.memref_slice %arg9[%dma_wait3A_91, %dma_wait3A_93] : memref<2x80xi32, #tpu.memory_space<vmem>> -> memref<1x80xi32, #tpu.memory_space<vmem>>
    %dma_wait3A_95 = tpu.memref_squeeze %dma_wait3A_94 : memref<1x80xi32, #tpu.memory_space<vmem>> -> memref<80xi32, #tpu.memory_space<vmem>>
    %dma_wait3A_96 = arith.constant 0 : i32
    %dma_wait3A_97 = tpu.memref_slice %arg2[%dma_wait3A_96] : memref<819200xi32, #tpu.memory_space<hbm>> -> memref<80xi32, #tpu.memory_space<hbm>>
    %dma_wait3A_98 = tpu.memref_slice %arg16[%dma_wait3A_92] : memref<2x!tpu.dma_semaphore, #tpu.memory_space<semaphore_mem>> -> memref<1x!tpu.dma_semaphore, #tpu.memory_space<semaphore_mem>>
    %dma_wait3A_99 = tpu.memref_squeeze %dma_wait3A_98 : memref<1x!tpu.dma_semaphore, #tpu.memory_space<semaphore_mem>> -> memref<!tpu.dma_semaphore, #tpu.memory_space<semaphore_mem>>
    %dma_wait3A_100 = arith.constant 0 : i32
    %dma_wait3A_101 = tpu.memref_slice %arg9[%dma_wait3A_91, %dma_wait3A_100] : memref<2x80xi32, #tpu.memory_space<vmem>> -> memref<1x80xi32, #tpu.memory_space<vmem>>
    %dma_wait3A_102 = tpu.memref_squeeze %dma_wait3A_101 : memref<1x80xi32, #tpu.memory_space<vmem>> -> memref<80xi32, #tpu.memory_space<vmem>>
    %dma_wait3A_103 = arith.constant 0 : i32
    %dma_wait3A_104 = tpu.memref_slice %arg2[%dma_wait3A_103] : memref<819200xi32, #tpu.memory_space<hbm>> -> memref<80xi32, #tpu.memory_space<hbm>>
    tpu.wait_dma2 semaphore(%dma_wait3A_99 : memref<!tpu.dma_semaphore, #tpu.memory_space<semaphore_mem>>) src(%dma_wait3A_104 : memref<80xi32, #tpu.memory_space<hbm>>) dst(%dma_wait3A_102 : memref<80xi32, #tpu.memory_space<vmem>>)
    %dma_wait3A_105 = arith.constant 0 : i32
    %dma_wait3A_106 = arith.constant 0 : i32
    %dma_wait3A_107 = arith.constant 0 : i32
    %dma_wait3A_108 = tpu.memref_slice %arg9[%dma_wait3A_105, %dma_wait3A_107] : memref<2x80xi32, #tpu.memory_space<vmem>> -> memref<1x80xi32, #tpu.memory_space<vmem>>
    %dma_wait3A_109 = tpu.memref_squeeze %dma_wait3A_108 : memref<1x80xi32, #tpu.memory_space<vmem>> -> memref<80xi32, #tpu.memory_space<vmem>>
    %dma_wait3A_110 = arith.constant 0 : i32
    %dma_wait3A_111 = tpu.memref_slice %arg2[%dma_wait3A_110] : memref<819200xi32, #tpu.memory_space<hbm>> -> memref<80xi32, #tpu.memory_space<hbm>>
    %dma_wait3A_112 = tpu.memref_slice %arg16[%dma_wait3A_106] : memref<2x!tpu.dma_semaphore, #tpu.memory_space<semaphore_mem>> -> memref<1x!tpu.dma_semaphore, #tpu.memory_space<semaphore_mem>>
    %dma_wait3A_113 = tpu.memref_squeeze %dma_wait3A_112 : memref<1x!tpu.dma_semaphore, #tpu.memory_space<semaphore_mem>> -> memref<!tpu.dma_semaphore, #tpu.memory_space<semaphore_mem>>
    %dma_wait3A_114 = arith.constant 0 : i32
    %dma_wait3A_115 = tpu.memref_slice %arg9[%dma_wait3A_105, %dma_wait3A_114] : memref<2x80xi32, #tpu.memory_space<vmem>> -> memref<1x80xi32, #tpu.memory_space<vmem>>
    %dma_wait3A_116 = tpu.memref_squeeze %dma_wait3A_115 : memref<1x80xi32, #tpu.memory_space<vmem>> -> memref<80xi32, #tpu.memory_space<vmem>>
    %dma_wait3A_117 = arith.constant 0 : i32
    %dma_wait3A_118 = tpu.memref_slice %arg2[%dma_wait3A_117] : memref<819200xi32, #tpu.memory_space<hbm>> -> memref<80xi32, #tpu.memory_space<hbm>>
    tpu.wait_dma2 semaphore(%dma_wait3A_113 : memref<!tpu.dma_semaphore, #tpu.memory_space<semaphore_mem>>) src(%dma_wait3A_118 : memref<80xi32, #tpu.memory_space<hbm>>) dst(%dma_wait3A_116 : memref<80xi32, #tpu.memory_space<vmem>>)
    %dma_start3A_119 = arith.constant 0 : i32
    %dma_start3A_120 = arith.constant 0 : i32
    %dma_start3A_121 = arith.constant 0 : i32
    %dma_start3A_122 = arith.constant 0 : i32
    %dma_start3A_123 = arith.constant 0 : i32
    %dma_start3A_124 = tpu.memref_slice %arg12[%dma_start3A_120, %dma_start3A_122, %dma_start3A_123] : memref<2x80x128xf32, #tpu.memory_space<vmem>> -> memref<1x80x128xf32, #tpu.memory_space<vmem>>
    %dma_start3A_125 = tpu.memref_squeeze %dma_start3A_124 : memref<1x80x128xf32, #tpu.memory_space<vmem>> -> memref<80x128xf32, #tpu.memory_space<vmem>>
    %dma_start3A_126 = arith.constant 0 : i32
    %dma_start3A_127 = tpu.memref_slice %arg9[%dma_start3A_119, %dma_start3A_126] : memref<2x80xi32, #tpu.memory_space<vmem>> -> memref<1x80xi32, #tpu.memory_space<vmem>>
    %dma_start3A_128 = tpu.memref_squeeze %dma_start3A_127 : memref<1x80xi32, #tpu.memory_space<vmem>> -> memref<80xi32, #tpu.memory_space<vmem>>
    %dma_start3A_129 = arith.constant 0 : i32
    %dma_start3A_130 = arith.constant 0 : i32
    %dma_start3A_131 = tpu.memref_slice %arg5[%dma_start3A_129, %dma_start3A_130] : memref<100000x128xf32, #tpu.memory_space<hbm>> -> memref<100000x128xf32, #tpu.memory_space<hbm>>
    %dma_start3A_132 = tpu.memref_slice %arg17[%dma_start3A_121] : memref<2x!tpu.dma_semaphore, #tpu.memory_space<semaphore_mem>> -> memref<1x!tpu.dma_semaphore, #tpu.memory_space<semaphore_mem>>
    %dma_start3A_133 = tpu.memref_squeeze %dma_start3A_132 : memref<1x!tpu.dma_semaphore, #tpu.memory_space<semaphore_mem>> -> memref<!tpu.dma_semaphore, #tpu.memory_space<semaphore_mem>>
    tpu.enqueue_indirect_dma source(%dma_start3A_131 : memref<100000x128xf32, #tpu.memory_space<hbm>>) target(%dma_start3A_125 : memref<80x128xf32, #tpu.memory_space<vmem>>) offsets(%dma_start3A_128 : memref<80xi32, #tpu.memory_space<vmem>>) semaphore(%dma_start3A_133 : memref<!tpu.dma_semaphore, #tpu.memory_space<semaphore_mem>>)
    %dma_start3A_134 = arith.constant 0 : i32
    %dma_start3A_135 = arith.constant 0 : i32
    %dma_start3A_136 = arith.constant 0 : i32
    %dma_start3A_137 = arith.constant 0 : i32
    %dma_start3A_138 = arith.constant 0 : i32
    %dma_start3A_139 = tpu.memref_slice %arg13[%dma_start3A_135, %dma_start3A_137, %dma_start3A_138] : memref<2x80x128xf32, #tpu.memory_space<vmem>> -> memref<1x80x128xf32, #tpu.memory_space<vmem>>
    %dma_start3A_140 = tpu.memref_squeeze %dma_start3A_139 : memref<1x80x128xf32, #tpu.memory_space<vmem>> -> memref<80x128xf32, #tpu.memory_space<vmem>>
    %dma_start3A_141 = arith.constant 0 : i32
    %dma_start3A_142 = tpu.memref_slice %arg10[%dma_start3A_134, %dma_start3A_141] : memref<2x80xi32, #tpu.memory_space<vmem>> -> memref<1x80xi32, #tpu.memory_space<vmem>>
    %dma_start3A_143 = tpu.memref_squeeze %dma_start3A_142 : memref<1x80xi32, #tpu.memory_space<vmem>> -> memref<80xi32, #tpu.memory_space<vmem>>
    %dma_start3A_144 = arith.constant 0 : i32
    %dma_start3A_145 = arith.constant 0 : i32
    %dma_start3A_146 = tpu.memref_slice %arg7[%dma_start3A_144, %dma_start3A_145] : memref<1000x128xf32, #tpu.memory_space<hbm>> -> memref<1000x128xf32, #tpu.memory_space<hbm>>
    %dma_start3A_147 = tpu.memref_slice %arg17[%dma_start3A_136] : memref<2x!tpu.dma_semaphore, #tpu.memory_space<semaphore_mem>> -> memref<1x!tpu.dma_semaphore, #tpu.memory_space<semaphore_mem>>
    %dma_start3A_148 = tpu.memref_squeeze %dma_start3A_147 : memref<1x!tpu.dma_semaphore, #tpu.memory_space<semaphore_mem>> -> memref<!tpu.dma_semaphore, #tpu.memory_space<semaphore_mem>>
    tpu.enqueue_indirect_dma source(%dma_start3A_146 : memref<1000x128xf32, #tpu.memory_space<hbm>>) target(%dma_start3A_140 : memref<80x128xf32, #tpu.memory_space<vmem>>) offsets(%dma_start3A_143 : memref<80xi32, #tpu.memory_space<vmem>>) semaphore(%dma_start3A_148 : memref<!tpu.dma_semaphore, #tpu.memory_space<semaphore_mem>>)
    %dma_start3A_149 = arith.constant 0 : i32
    %dma_start3A_150 = arith.constant 0 : i32
    %dma_start3A_151 = arith.constant 0 : i32
    %dma_start3A_152 = arith.constant 0 : i32
    %dma_start3A_153 = arith.constant 0 : i32
    %dma_start3A_154 = tpu.memref_slice %arg14[%dma_start3A_150, %dma_start3A_152, %dma_start3A_153] : memref<2x80x128xf32, #tpu.memory_space<vmem>> -> memref<1x80x128xf32, #tpu.memory_space<vmem>>
    %dma_start3A_155 = tpu.memref_squeeze %dma_start3A_154 : memref<1x80x128xf32, #tpu.memory_space<vmem>> -> memref<80x128xf32, #tpu.memory_space<vmem>>
    %dma_start3A_156 = arith.constant 0 : i32
    %dma_start3A_157 = tpu.memref_slice %arg11[%dma_start3A_149, %dma_start3A_156] : memref<2x80xi32, #tpu.memory_space<vmem>> -> memref<1x80xi32, #tpu.memory_space<vmem>>
    %dma_start3A_158 = tpu.memref_squeeze %dma_start3A_157 : memref<1x80xi32, #tpu.memory_space<vmem>> -> memref<80xi32, #tpu.memory_space<vmem>>
    %dma_start3A_159 = arith.constant 0 : i32
    %dma_start3A_160 = arith.constant 0 : i32
    %dma_start3A_161 = tpu.memref_slice %arg6[%dma_start3A_159, %dma_start3A_160] : memref<1000000x128xf32, #tpu.memory_space<hbm>> -> memref<1000000x128xf32, #tpu.memory_space<hbm>>
    %dma_start3A_162 = tpu.memref_slice %arg17[%dma_start3A_151] : memref<2x!tpu.dma_semaphore, #tpu.memory_space<semaphore_mem>> -> memref<1x!tpu.dma_semaphore, #tpu.memory_space<semaphore_mem>>
    %dma_start3A_163 = tpu.memref_squeeze %dma_start3A_162 : memref<1x!tpu.dma_semaphore, #tpu.memory_space<semaphore_mem>> -> memref<!tpu.dma_semaphore, #tpu.memory_space<semaphore_mem>>
    tpu.enqueue_indirect_dma source(%dma_start3A_161 : memref<1000000x128xf32, #tpu.memory_space<hbm>>) target(%dma_start3A_155 : memref<80x128xf32, #tpu.memory_space<vmem>>) offsets(%dma_start3A_158 : memref<80xi32, #tpu.memory_space<vmem>>) semaphore(%dma_start3A_163 : memref<!tpu.dma_semaphore, #tpu.memory_space<semaphore_mem>>)
    %scan3A = arith.constant 0 : i32
    %scan3A_164 = arith.constant 0 : i32
    %scan3A_165 = arith.constant 318 : i32
    %scan3A_166 = arith.addi %scan3A_164, %scan3A_165 : i32
    %scan3A_167 = arith.constant 1 : i32
    scf.for %scan3A_484 = %scan3A_164 to %scan3A_166 step %scan3A_167  : i32 {
      %rem3A = arith.constant 2 : i32
      %rem3A_485 = arith.remsi %scan3A_484, %rem3A : i32
      %sub3A = arith.constant 1 : i32
      %sub3A_486 = arith.subi %sub3A, %rem3A_485 : i32
      %dma_wait3A_487 = arith.constant 0 : i32
      %dma_wait3A_488 = arith.constant 0 : i32
      %dma_wait3A_489 = tpu.memref_slice %arg12[%rem3A_485, %dma_wait3A_487, %dma_wait3A_488] : memref<2x80x128xf32, #tpu.memory_space<vmem>> -> memref<1x80x128xf32, #tpu.memory_space<vmem>>
      %dma_wait3A_490 = tpu.memref_squeeze %dma_wait3A_489 : memref<1x80x128xf32, #tpu.memory_space<vmem>> -> memref<80x128xf32, #tpu.memory_space<vmem>>
      %dma_wait3A_491 = arith.constant 0 : i32
      %dma_wait3A_492 = arith.constant 0 : i32
      %dma_wait3A_493 = tpu.memref_slice %arg5[%dma_wait3A_491, %dma_wait3A_492] : memref<100000x128xf32, #tpu.memory_space<hbm>> -> memref<80x128xf32, #tpu.memory_space<hbm>>
      %dma_wait3A_494 = tpu.memref_slice %arg17[%rem3A_485] : memref<2x!tpu.dma_semaphore, #tpu.memory_space<semaphore_mem>> -> memref<1x!tpu.dma_semaphore, #tpu.memory_space<semaphore_mem>>
      %dma_wait3A_495 = tpu.memref_squeeze %dma_wait3A_494 : memref<1x!tpu.dma_semaphore, #tpu.memory_space<semaphore_mem>> -> memref<!tpu.dma_semaphore, #tpu.memory_space<semaphore_mem>>
      %dma_wait3A_496 = arith.constant 0 : i32
      %dma_wait3A_497 = arith.constant 0 : i32
      %dma_wait3A_498 = tpu.memref_slice %arg12[%rem3A_485, %dma_wait3A_496, %dma_wait3A_497] : memref<2x80x128xf32, #tpu.memory_space<vmem>> -> memref<1x80x128xf32, #tpu.memory_space<vmem>>
      %dma_wait3A_499 = tpu.memref_squeeze %dma_wait3A_498 : memref<1x80x128xf32, #tpu.memory_space<vmem>> -> memref<80x128xf32, #tpu.memory_space<vmem>>
      %dma_wait3A_500 = arith.constant 0 : i32
      %dma_wait3A_501 = arith.constant 0 : i32
      %dma_wait3A_502 = tpu.memref_slice %arg5[%dma_wait3A_500, %dma_wait3A_501] : memref<100000x128xf32, #tpu.memory_space<hbm>> -> memref<80x128xf32, #tpu.memory_space<hbm>>
      tpu.wait_dma2 semaphore(%dma_wait3A_495 : memref<!tpu.dma_semaphore, #tpu.memory_space<semaphore_mem>>) src(%dma_wait3A_502 : memref<80x128xf32, #tpu.memory_space<hbm>>) dst(%dma_wait3A_499 : memref<80x128xf32, #tpu.memory_space<vmem>>)
      %dma_wait3A_503 = arith.constant 0 : i32
      %dma_wait3A_504 = arith.constant 0 : i32
      %dma_wait3A_505 = tpu.memref_slice %arg13[%rem3A_485, %dma_wait3A_503, %dma_wait3A_504] : memref<2x80x128xf32, #tpu.memory_space<vmem>> -> memref<1x80x128xf32, #tpu.memory_space<vmem>>
      %dma_wait3A_506 = tpu.memref_squeeze %dma_wait3A_505 : memref<1x80x128xf32, #tpu.memory_space<vmem>> -> memref<80x128xf32, #tpu.memory_space<vmem>>
      %dma_wait3A_507 = arith.constant 0 : i32
      %dma_wait3A_508 = arith.constant 0 : i32
      %dma_wait3A_509 = tpu.memref_slice %arg7[%dma_wait3A_507, %dma_wait3A_508] : memref<1000x128xf32, #tpu.memory_space<hbm>> -> memref<80x128xf32, #tpu.memory_space<hbm>>
      %dma_wait3A_510 = tpu.memref_slice %arg17[%rem3A_485] : memref<2x!tpu.dma_semaphore, #tpu.memory_space<semaphore_mem>> -> memref<1x!tpu.dma_semaphore, #tpu.memory_space<semaphore_mem>>
      %dma_wait3A_511 = tpu.memref_squeeze %dma_wait3A_510 : memref<1x!tpu.dma_semaphore, #tpu.memory_space<semaphore_mem>> -> memref<!tpu.dma_semaphore, #tpu.memory_space<semaphore_mem>>
      %dma_wait3A_512 = arith.constant 0 : i32
      %dma_wait3A_513 = arith.constant 0 : i32
      %dma_wait3A_514 = tpu.memref_slice %arg13[%rem3A_485, %dma_wait3A_512, %dma_wait3A_513] : memref<2x80x128xf32, #tpu.memory_space<vmem>> -> memref<1x80x128xf32, #tpu.memory_space<vmem>>
      %dma_wait3A_515 = tpu.memref_squeeze %dma_wait3A_514 : memref<1x80x128xf32, #tpu.memory_space<vmem>> -> memref<80x128xf32, #tpu.memory_space<vmem>>
      %dma_wait3A_516 = arith.constant 0 : i32
      %dma_wait3A_517 = arith.constant 0 : i32
      %dma_wait3A_518 = tpu.memref_slice %arg7[%dma_wait3A_516, %dma_wait3A_517] : memref<1000x128xf32, #tpu.memory_space<hbm>> -> memref<80x128xf32, #tpu.memory_space<hbm>>
      tpu.wait_dma2 semaphore(%dma_wait3A_511 : memref<!tpu.dma_semaphore, #tpu.memory_space<semaphore_mem>>) src(%dma_wait3A_518 : memref<80x128xf32, #tpu.memory_space<hbm>>) dst(%dma_wait3A_515 : memref<80x128xf32, #tpu.memory_space<vmem>>)
      %dma_wait3A_519 = arith.constant 0 : i32
      %dma_wait3A_520 = arith.constant 0 : i32
      %dma_wait3A_521 = tpu.memref_slice %arg14[%rem3A_485, %dma_wait3A_519, %dma_wait3A_520] : memref<2x80x128xf32, #tpu.memory_space<vmem>> -> memref<1x80x128xf32, #tpu.memory_space<vmem>>
      %dma_wait3A_522 = tpu.memref_squeeze %dma_wait3A_521 : memref<1x80x128xf32, #tpu.memory_space<vmem>> -> memref<80x128xf32, #tpu.memory_space<vmem>>
      %dma_wait3A_523 = arith.constant 0 : i32
      %dma_wait3A_524 = arith.constant 0 : i32
      %dma_wait3A_525 = tpu.memref_slice %arg6[%dma_wait3A_523, %dma_wait3A_524] : memref<1000000x128xf32, #tpu.memory_space<hbm>> -> memref<80x128xf32, #tpu.memory_space<hbm>>
      %dma_wait3A_526 = tpu.memref_slice %arg17[%rem3A_485] : memref<2x!tpu.dma_semaphore, #tpu.memory_space<semaphore_mem>> -> memref<1x!tpu.dma_semaphore, #tpu.memory_space<semaphore_mem>>
      %dma_wait3A_527 = tpu.memref_squeeze %dma_wait3A_526 : memref<1x!tpu.dma_semaphore, #tpu.memory_space<semaphore_mem>> -> memref<!tpu.dma_semaphore, #tpu.memory_space<semaphore_mem>>
      %dma_wait3A_528 = arith.constant 0 : i32
      %dma_wait3A_529 = arith.constant 0 : i32
      %dma_wait3A_530 = tpu.memref_slice %arg14[%rem3A_485, %dma_wait3A_528, %dma_wait3A_529] : memref<2x80x128xf32, #tpu.memory_space<vmem>> -> memref<1x80x128xf32, #tpu.memory_space<vmem>>
      %dma_wait3A_531 = tpu.memref_squeeze %dma_wait3A_530 : memref<1x80x128xf32, #tpu.memory_space<vmem>> -> memref<80x128xf32, #tpu.memory_space<vmem>>
      %dma_wait3A_532 = arith.constant 0 : i32
      %dma_wait3A_533 = arith.constant 0 : i32
      %dma_wait3A_534 = tpu.memref_slice %arg6[%dma_wait3A_532, %dma_wait3A_533] : memref<1000000x128xf32, #tpu.memory_space<hbm>> -> memref<80x128xf32, #tpu.memory_space<hbm>>
      tpu.wait_dma2 semaphore(%dma_wait3A_527 : memref<!tpu.dma_semaphore, #tpu.memory_space<semaphore_mem>>) src(%dma_wait3A_534 : memref<80x128xf32, #tpu.memory_space<hbm>>) dst(%dma_wait3A_531 : memref<80x128xf32, #tpu.memory_space<vmem>>)
      %dma_wait3A_535 = arith.constant 0 : i32
      %dma_wait3A_536 = tpu.memref_slice %arg9[%sub3A_486, %dma_wait3A_535] : memref<2x80xi32, #tpu.memory_space<vmem>> -> memref<1x80xi32, #tpu.memory_space<vmem>>
      %dma_wait3A_537 = tpu.memref_squeeze %dma_wait3A_536 : memref<1x80xi32, #tpu.memory_space<vmem>> -> memref<80xi32, #tpu.memory_space<vmem>>
      %dma_wait3A_538 = arith.constant 0 : i32
      %dma_wait3A_539 = tpu.memref_slice %arg2[%dma_wait3A_538] : memref<819200xi32, #tpu.memory_space<hbm>> -> memref<80xi32, #tpu.memory_space<hbm>>
      %dma_wait3A_540 = tpu.memref_slice %arg16[%sub3A_486] : memref<2x!tpu.dma_semaphore, #tpu.memory_space<semaphore_mem>> -> memref<1x!tpu.dma_semaphore, #tpu.memory_space<semaphore_mem>>
      %dma_wait3A_541 = tpu.memref_squeeze %dma_wait3A_540 : memref<1x!tpu.dma_semaphore, #tpu.memory_space<semaphore_mem>> -> memref<!tpu.dma_semaphore, #tpu.memory_space<semaphore_mem>>
      %dma_wait3A_542 = arith.constant 0 : i32
      %dma_wait3A_543 = tpu.memref_slice %arg9[%sub3A_486, %dma_wait3A_542] : memref<2x80xi32, #tpu.memory_space<vmem>> -> memref<1x80xi32, #tpu.memory_space<vmem>>
      %dma_wait3A_544 = tpu.memref_squeeze %dma_wait3A_543 : memref<1x80xi32, #tpu.memory_space<vmem>> -> memref<80xi32, #tpu.memory_space<vmem>>
      %dma_wait3A_545 = arith.constant 0 : i32
      %dma_wait3A_546 = tpu.memref_slice %arg2[%dma_wait3A_545] : memref<819200xi32, #tpu.memory_space<hbm>> -> memref<80xi32, #tpu.memory_space<hbm>>
      tpu.wait_dma2 semaphore(%dma_wait3A_541 : memref<!tpu.dma_semaphore, #tpu.memory_space<semaphore_mem>>) src(%dma_wait3A_546 : memref<80xi32, #tpu.memory_space<hbm>>) dst(%dma_wait3A_544 : memref<80xi32, #tpu.memory_space<vmem>>)
      %dma_wait3A_547 = arith.constant 0 : i32
      %dma_wait3A_548 = tpu.memref_slice %arg9[%sub3A_486, %dma_wait3A_547] : memref<2x80xi32, #tpu.memory_space<vmem>> -> memref<1x80xi32, #tpu.memory_space<vmem>>
      %dma_wait3A_549 = tpu.memref_squeeze %dma_wait3A_548 : memref<1x80xi32, #tpu.memory_space<vmem>> -> memref<80xi32, #tpu.memory_space<vmem>>
      %dma_wait3A_550 = arith.constant 0 : i32
      %dma_wait3A_551 = tpu.memref_slice %arg2[%dma_wait3A_550] : memref<819200xi32, #tpu.memory_space<hbm>> -> memref<80xi32, #tpu.memory_space<hbm>>
      %dma_wait3A_552 = tpu.memref_slice %arg16[%sub3A_486] : memref<2x!tpu.dma_semaphore, #tpu.memory_space<semaphore_mem>> -> memref<1x!tpu.dma_semaphore, #tpu.memory_space<semaphore_mem>>
      %dma_wait3A_553 = tpu.memref_squeeze %dma_wait3A_552 : memref<1x!tpu.dma_semaphore, #tpu.memory_space<semaphore_mem>> -> memref<!tpu.dma_semaphore, #tpu.memory_space<semaphore_mem>>
      %dma_wait3A_554 = arith.constant 0 : i32
      %dma_wait3A_555 = tpu.memref_slice %arg9[%sub3A_486, %dma_wait3A_554] : memref<2x80xi32, #tpu.memory_space<vmem>> -> memref<1x80xi32, #tpu.memory_space<vmem>>
      %dma_wait3A_556 = tpu.memref_squeeze %dma_wait3A_555 : memref<1x80xi32, #tpu.memory_space<vmem>> -> memref<80xi32, #tpu.memory_space<vmem>>
      %dma_wait3A_557 = arith.constant 0 : i32
      %dma_wait3A_558 = tpu.memref_slice %arg2[%dma_wait3A_557] : memref<819200xi32, #tpu.memory_space<hbm>> -> memref<80xi32, #tpu.memory_space<hbm>>
      tpu.wait_dma2 semaphore(%dma_wait3A_553 : memref<!tpu.dma_semaphore, #tpu.memory_space<semaphore_mem>>) src(%dma_wait3A_558 : memref<80xi32, #tpu.memory_space<hbm>>) dst(%dma_wait3A_556 : memref<80xi32, #tpu.memory_space<vmem>>)
      %dma_wait3A_559 = arith.constant 0 : i32
      %dma_wait3A_560 = tpu.memref_slice %arg9[%sub3A_486, %dma_wait3A_559] : memref<2x80xi32, #tpu.memory_space<vmem>> -> memref<1x80xi32, #tpu.memory_space<vmem>>
      %dma_wait3A_561 = tpu.memref_squeeze %dma_wait3A_560 : memref<1x80xi32, #tpu.memory_space<vmem>> -> memref<80xi32, #tpu.memory_space<vmem>>
      %dma_wait3A_562 = arith.constant 0 : i32
      %dma_wait3A_563 = tpu.memref_slice %arg2[%dma_wait3A_562] : memref<819200xi32, #tpu.memory_space<hbm>> -> memref<80xi32, #tpu.memory_space<hbm>>
      %dma_wait3A_564 = tpu.memref_slice %arg16[%sub3A_486] : memref<2x!tpu.dma_semaphore, #tpu.memory_space<semaphore_mem>> -> memref<1x!tpu.dma_semaphore, #tpu.memory_space<semaphore_mem>>
      %dma_wait3A_565 = tpu.memref_squeeze %dma_wait3A_564 : memref<1x!tpu.dma_semaphore, #tpu.memory_space<semaphore_mem>> -> memref<!tpu.dma_semaphore, #tpu.memory_space<semaphore_mem>>
      %dma_wait3A_566 = arith.constant 0 : i32
      %dma_wait3A_567 = tpu.memref_slice %arg9[%sub3A_486, %dma_wait3A_566] : memref<2x80xi32, #tpu.memory_space<vmem>> -> memref<1x80xi32, #tpu.memory_space<vmem>>
      %dma_wait3A_568 = tpu.memref_squeeze %dma_wait3A_567 : memref<1x80xi32, #tpu.memory_space<vmem>> -> memref<80xi32, #tpu.memory_space<vmem>>
      %dma_wait3A_569 = arith.constant 0 : i32
      %dma_wait3A_570 = tpu.memref_slice %arg2[%dma_wait3A_569] : memref<819200xi32, #tpu.memory_space<hbm>> -> memref<80xi32, #tpu.memory_space<hbm>>
      tpu.wait_dma2 semaphore(%dma_wait3A_565 : memref<!tpu.dma_semaphore, #tpu.memory_space<semaphore_mem>>) src(%dma_wait3A_570 : memref<80xi32, #tpu.memory_space<hbm>>) dst(%dma_wait3A_568 : memref<80xi32, #tpu.memory_space<vmem>>)
      %dma_start3A_571 = arith.constant 0 : i32
      %dma_start3A_572 = arith.constant 0 : i32
      %dma_start3A_573 = tpu.memref_slice %arg12[%sub3A_486, %dma_start3A_571, %dma_start3A_572] : memref<2x80x128xf32, #tpu.memory_space<vmem>> -> memref<1x80x128xf32, #tpu.memory_space<vmem>>
      %dma_start3A_574 = tpu.memref_squeeze %dma_start3A_573 : memref<1x80x128xf32, #tpu.memory_space<vmem>> -> memref<80x128xf32, #tpu.memory_space<vmem>>
      %dma_start3A_575 = arith.constant 0 : i32
      %dma_start3A_576 = tpu.memref_slice %arg9[%sub3A_486, %dma_start3A_575] : memref<2x80xi32, #tpu.memory_space<vmem>> -> memref<1x80xi32, #tpu.memory_space<vmem>>
      %dma_start3A_577 = tpu.memref_squeeze %dma_start3A_576 : memref<1x80xi32, #tpu.memory_space<vmem>> -> memref<80xi32, #tpu.memory_space<vmem>>
      %dma_start3A_578 = arith.constant 0 : i32
      %dma_start3A_579 = arith.constant 0 : i32
      %dma_start3A_580 = tpu.memref_slice %arg5[%dma_start3A_578, %dma_start3A_579] : memref<100000x128xf32, #tpu.memory_space<hbm>> -> memref<100000x128xf32, #tpu.memory_space<hbm>>
      %dma_start3A_581 = tpu.memref_slice %arg17[%sub3A_486] : memref<2x!tpu.dma_semaphore, #tpu.memory_space<semaphore_mem>> -> memref<1x!tpu.dma_semaphore, #tpu.memory_space<semaphore_mem>>
      %dma_start3A_582 = tpu.memref_squeeze %dma_start3A_581 : memref<1x!tpu.dma_semaphore, #tpu.memory_space<semaphore_mem>> -> memref<!tpu.dma_semaphore, #tpu.memory_space<semaphore_mem>>
      tpu.enqueue_indirect_dma source(%dma_start3A_580 : memref<100000x128xf32, #tpu.memory_space<hbm>>) target(%dma_start3A_574 : memref<80x128xf32, #tpu.memory_space<vmem>>) offsets(%dma_start3A_577 : memref<80xi32, #tpu.memory_space<vmem>>) semaphore(%dma_start3A_582 : memref<!tpu.dma_semaphore, #tpu.memory_space<semaphore_mem>>)
      %dma_start3A_583 = arith.constant 0 : i32
      %dma_start3A_584 = arith.constant 0 : i32
      %dma_start3A_585 = tpu.memref_slice %arg13[%sub3A_486, %dma_start3A_583, %dma_start3A_584] : memref<2x80x128xf32, #tpu.memory_space<vmem>> -> memref<1x80x128xf32, #tpu.memory_space<vmem>>
      %dma_start3A_586 = tpu.memref_squeeze %dma_start3A_585 : memref<1x80x128xf32, #tpu.memory_space<vmem>> -> memref<80x128xf32, #tpu.memory_space<vmem>>
      %dma_start3A_587 = arith.constant 0 : i32
      %dma_start3A_588 = tpu.memref_slice %arg10[%sub3A_486, %dma_start3A_587] : memref<2x80xi32, #tpu.memory_space<vmem>> -> memref<1x80xi32, #tpu.memory_space<vmem>>
      %dma_start3A_589 = tpu.memref_squeeze %dma_start3A_588 : memref<1x80xi32, #tpu.memory_space<vmem>> -> memref<80xi32, #tpu.memory_space<vmem>>
      %dma_start3A_590 = arith.constant 0 : i32
      %dma_start3A_591 = arith.constant 0 : i32
      %dma_start3A_592 = tpu.memref_slice %arg7[%dma_start3A_590, %dma_start3A_591] : memref<1000x128xf32, #tpu.memory_space<hbm>> -> memref<1000x128xf32, #tpu.memory_space<hbm>>
      %dma_start3A_593 = tpu.memref_slice %arg17[%sub3A_486] : memref<2x!tpu.dma_semaphore, #tpu.memory_space<semaphore_mem>> -> memref<1x!tpu.dma_semaphore, #tpu.memory_space<semaphore_mem>>
      %dma_start3A_594 = tpu.memref_squeeze %dma_start3A_593 : memref<1x!tpu.dma_semaphore, #tpu.memory_space<semaphore_mem>> -> memref<!tpu.dma_semaphore, #tpu.memory_space<semaphore_mem>>
      tpu.enqueue_indirect_dma source(%dma_start3A_592 : memref<1000x128xf32, #tpu.memory_space<hbm>>) target(%dma_start3A_586 : memref<80x128xf32, #tpu.memory_space<vmem>>) offsets(%dma_start3A_589 : memref<80xi32, #tpu.memory_space<vmem>>) semaphore(%dma_start3A_594 : memref<!tpu.dma_semaphore, #tpu.memory_space<semaphore_mem>>)
      %dma_start3A_595 = arith.constant 0 : i32
      %dma_start3A_596 = arith.constant 0 : i32
      %dma_start3A_597 = tpu.memref_slice %arg14[%sub3A_486, %dma_start3A_595, %dma_start3A_596] : memref<2x80x128xf32, #tpu.memory_space<vmem>> -> memref<1x80x128xf32, #tpu.memory_space<vmem>>
      %dma_start3A_598 = tpu.memref_squeeze %dma_start3A_597 : memref<1x80x128xf32, #tpu.memory_space<vmem>> -> memref<80x128xf32, #tpu.memory_space<vmem>>
      %dma_start3A_599 = arith.constant 0 : i32
      %dma_start3A_600 = tpu.memref_slice %arg11[%sub3A_486, %dma_start3A_599] : memref<2x80xi32, #tpu.memory_space<vmem>> -> memref<1x80xi32, #tpu.memory_space<vmem>>
      %dma_start3A_601 = tpu.memref_squeeze %dma_start3A_600 : memref<1x80xi32, #tpu.memory_space<vmem>> -> memref<80xi32, #tpu.memory_space<vmem>>
      %dma_start3A_602 = arith.constant 0 : i32
      %dma_start3A_603 = arith.constant 0 : i32
      %dma_start3A_604 = tpu.memref_slice %arg6[%dma_start3A_602, %dma_start3A_603] : memref<1000000x128xf32, #tpu.memory_space<hbm>> -> memref<1000000x128xf32, #tpu.memory_space<hbm>>
      %dma_start3A_605 = tpu.memref_slice %arg17[%sub3A_486] : memref<2x!tpu.dma_semaphore, #tpu.memory_space<semaphore_mem>> -> memref<1x!tpu.dma_semaphore, #tpu.memory_space<semaphore_mem>>
      %dma_start3A_606 = tpu.memref_squeeze %dma_start3A_605 : memref<1x!tpu.dma_semaphore, #tpu.memory_space<semaphore_mem>> -> memref<!tpu.dma_semaphore, #tpu.memory_space<semaphore_mem>>
      tpu.enqueue_indirect_dma source(%dma_start3A_604 : memref<1000000x128xf32, #tpu.memory_space<hbm>>) target(%dma_start3A_598 : memref<80x128xf32, #tpu.memory_space<vmem>>) offsets(%dma_start3A_601 : memref<80xi32, #tpu.memory_space<vmem>>) semaphore(%dma_start3A_606 : memref<!tpu.dma_semaphore, #tpu.memory_space<semaphore_mem>>)
      %ge3A = arith.constant 2 : i32
      %ge3A_607 = arith.cmpi sge, %scan3A_484, %ge3A : i32
      %convert_element_type3A = arith.extui %ge3A_607 : i1 to i32
      %cond3A = arith.constant 0 : i32
      %cond3A_608 = arith.cmpi ne, %convert_element_type3A, %cond3A : i32
      scf.if %cond3A_608 {
        %dma_wait3A_667 = arith.constant 0 : i32
        %dma_wait3A_668 = arith.constant 0 : i32
        %dma_wait3A_669 = tpu.memref_slice %arg15[%rem3A_485, %dma_wait3A_667, %dma_wait3A_668] : memref<2x80x160xf32, #tpu.memory_space<vmem>> -> memref<1x80x160xf32, #tpu.memory_space<vmem>>
        %dma_wait3A_670 = tpu.memref_squeeze %dma_wait3A_669 : memref<1x80x160xf32, #tpu.memory_space<vmem>> -> memref<80x160xf32, #tpu.memory_space<vmem>>
        %dma_wait3A_671 = arith.constant 0 : i32
        %dma_wait3A_672 = arith.constant 0 : i32
        %dma_wait3A_673 = tpu.memref_slice %arg8[%dma_wait3A_671, %dma_wait3A_672] : memref<819200x160xf32, #tpu.memory_space<hbm>> -> memref<80x160xf32, #tpu.memory_space<hbm>>
        %dma_wait3A_674 = tpu.memref_slice %arg18[%rem3A_485] : memref<2x!tpu.dma_semaphore, #tpu.memory_space<semaphore_mem>> -> memref<1x!tpu.dma_semaphore, #tpu.memory_space<semaphore_mem>>
        %dma_wait3A_675 = tpu.memref_squeeze %dma_wait3A_674 : memref<1x!tpu.dma_semaphore, #tpu.memory_space<semaphore_mem>> -> memref<!tpu.dma_semaphore, #tpu.memory_space<semaphore_mem>>
        %dma_wait3A_676 = arith.constant 0 : i32
        %dma_wait3A_677 = arith.constant 0 : i32
        %dma_wait3A_678 = tpu.memref_slice %arg15[%rem3A_485, %dma_wait3A_676, %dma_wait3A_677] : memref<2x80x160xf32, #tpu.memory_space<vmem>> -> memref<1x80x160xf32, #tpu.memory_space<vmem>>
        %dma_wait3A_679 = tpu.memref_squeeze %dma_wait3A_678 : memref<1x80x160xf32, #tpu.memory_space<vmem>> -> memref<80x160xf32, #tpu.memory_space<vmem>>
        %dma_wait3A_680 = arith.constant 0 : i32
        %dma_wait3A_681 = arith.constant 0 : i32
        %dma_wait3A_682 = tpu.memref_slice %arg8[%dma_wait3A_680, %dma_wait3A_681] : memref<819200x160xf32, #tpu.memory_space<hbm>> -> memref<80x160xf32, #tpu.memory_space<hbm>>
        tpu.wait_dma2 semaphore(%dma_wait3A_675 : memref<!tpu.dma_semaphore, #tpu.memory_space<semaphore_mem>>) src(%dma_wait3A_682 : memref<80x160xf32, #tpu.memory_space<hbm>>) dst(%dma_wait3A_679 : memref<80x160xf32, #tpu.memory_space<vmem>>)
      } else {
      }
      %scan3A_609 = arith.constant 0 : i32
      %scan3A_610 = arith.constant 0 : i32
      %scan3A_611 = arith.constant 80 : i32
      %scan3A_612 = arith.addi %scan3A_610, %scan3A_611 : i32
      %scan3A_613 = arith.constant 1 : i32
      scf.for %scan3A_667 = %scan3A_610 to %scan3A_612 step %scan3A_613  : i32 {
        %get3A = arith.index_cast %rem3A_485 : i32 to index
        %get3A_668 = arith.index_cast %scan3A_667 : i32 to index
        %get3A_669 = arith.constant 0 : index
        %get3A_670 = tpu.vector_load %arg12[%get3A, %get3A_668, %get3A_669] {strides = array<i32>} : memref<2x80x128xf32, #tpu.memory_space<vmem>>, vector<1x1x16xf32>,
        %get3A_671 = vector.shape_cast %get3A_670 : vector<1x1x16xf32> to vector<16xf32>
        %swap3A = arith.index_cast %rem3A_485 : i32 to index
        %swap3A_672 = arith.index_cast %scan3A_667 : i32 to index
        %swap3A_673 = arith.constant 0 : index
        %swap3A_674 = tpu.vector_load %arg15[%swap3A, %swap3A_672, %swap3A_673] {strides = array<i32>} : memref<2x80x160xf32, #tpu.memory_space<vmem>>, vector<1x1x16xf32>,
        %swap3A_675 = vector.shape_cast %swap3A_674 : vector<1x1x16xf32> to vector<16xf32>
        %swap3A_676 = vector.shape_cast %get3A_671 : vector<16xf32> to vector<1x1x16xf32>
        tpu.vector_store %arg15[%swap3A, %swap3A_672, %swap3A_673], %swap3A_676 {strides = array<i32>} : memref<2x80x160xf32, #tpu.memory_space<vmem>>, vector<1x1x16xf32>,
        %get3A_677 = arith.index_cast %rem3A_485 : i32 to index
        %get3A_678 = arith.index_cast %scan3A_667 : i32 to index
        %get3A_679 = arith.constant 16 : index
        %get3A_680 = tpu.vector_load %arg12[%get3A_677, %get3A_678, %get3A_679] {strides = array<i32>} : memref<2x80x128xf32, #tpu.memory_space<vmem>>, vector<1x1x16xf32>,
        %get3A_681 = vector.shape_cast %get3A_680 : vector<1x1x16xf32> to vector<16xf32>
        %swap3A_682 = arith.index_cast %rem3A_485 : i32 to index
        %swap3A_683 = arith.index_cast %scan3A_667 : i32 to index
        %swap3A_684 = arith.constant 16 : index
        %swap3A_685 = tpu.vector_load %arg15[%swap3A_682, %swap3A_683, %swap3A_684] {strides = array<i32>} : memref<2x80x160xf32, #tpu.memory_space<vmem>>, vector<1x1x16xf32>,
        %swap3A_686 = vector.shape_cast %swap3A_685 : vector<1x1x16xf32> to vector<16xf32>
        %swap3A_687 = vector.shape_cast %get3A_681 : vector<16xf32> to vector<1x1x16xf32>
        tpu.vector_store %arg15[%swap3A_682, %swap3A_683, %swap3A_684], %swap3A_687 {strides = array<i32>} : memref<2x80x160xf32, #tpu.memory_space<vmem>>, vector<1x1x16xf32>,
        %get3A_688 = arith.index_cast %rem3A_485 : i32 to index
        %get3A_689 = arith.index_cast %scan3A_667 : i32 to index
        %get3A_690 = arith.constant 32 : index
        %get3A_691 = tpu.vector_load %arg12[%get3A_688, %get3A_689, %get3A_690] {strides = array<i32>} : memref<2x80x128xf32, #tpu.memory_space<vmem>>, vector<1x1x16xf32>,
        %get3A_692 = vector.shape_cast %get3A_691 : vector<1x1x16xf32> to vector<16xf32>
        %swap3A_693 = arith.index_cast %rem3A_485 : i32 to index
        %swap3A_694 = arith.index_cast %scan3A_667 : i32 to index
        %swap3A_695 = arith.constant 32 : index
        %swap3A_696 = tpu.vector_load %arg15[%swap3A_693, %swap3A_694, %swap3A_695] {strides = array<i32>} : memref<2x80x160xf32, #tpu.memory_space<vmem>>, vector<1x1x16xf32>,
        %swap3A_697 = vector.shape_cast %swap3A_696 : vector<1x1x16xf32> to vector<16xf32>
        %swap3A_698 = vector.shape_cast %get3A_692 : vector<16xf32> to vector<1x1x16xf32>
        tpu.vector_store %arg15[%swap3A_693, %swap3A_694, %swap3A_695], %swap3A_698 {strides = array<i32>} : memref<2x80x160xf32, #tpu.memory_space<vmem>>, vector<1x1x16xf32>,
        %get3A_699 = arith.index_cast %rem3A_485 : i32 to index
        %get3A_700 = arith.index_cast %scan3A_667 : i32 to index
        %get3A_701 = arith.constant 48 : index
        %get3A_702 = tpu.vector_load %arg12[%get3A_699, %get3A_700, %get3A_701] {strides = array<i32>} : memref<2x80x128xf32, #tpu.memory_space<vmem>>, vector<1x1x16xf32>,
        %get3A_703 = vector.shape_cast %get3A_702 : vector<1x1x16xf32> to vector<16xf32>
        %swap3A_704 = arith.index_cast %rem3A_485 : i32 to index
        %swap3A_705 = arith.index_cast %scan3A_667 : i32 to index
        %swap3A_706 = arith.constant 48 : index
        %swap3A_707 = tpu.vector_load %arg15[%swap3A_704, %swap3A_705, %swap3A_706] {strides = array<i32>} : memref<2x80x160xf32, #tpu.memory_space<vmem>>, vector<1x1x16xf32>,
        %swap3A_708 = vector.shape_cast %swap3A_707 : vector<1x1x16xf32> to vector<16xf32>
        %swap3A_709 = vector.shape_cast %get3A_703 : vector<16xf32> to vector<1x1x16xf32>
        tpu.vector_store %arg15[%swap3A_704, %swap3A_705, %swap3A_706], %swap3A_709 {strides = array<i32>} : memref<2x80x160xf32, #tpu.memory_space<vmem>>, vector<1x1x16xf32>,
        %get3A_710 = arith.index_cast %rem3A_485 : i32 to index
        %get3A_711 = arith.index_cast %scan3A_667 : i32 to index
        %get3A_712 = arith.constant 0 : index
        %get3A_713 = tpu.vector_load %arg13[%get3A_710, %get3A_711, %get3A_712] {strides = array<i32>} : memref<2x80x128xf32, #tpu.memory_space<vmem>>, vector<1x1x16xf32>,
        %get3A_714 = vector.shape_cast %get3A_713 : vector<1x1x16xf32> to vector<16xf32>
        %swap3A_715 = arith.index_cast %rem3A_485 : i32 to index
        %swap3A_716 = arith.index_cast %scan3A_667 : i32 to index
        %swap3A_717 = arith.constant 64 : index
        %swap3A_718 = tpu.vector_load %arg15[%swap3A_715, %swap3A_716, %swap3A_717] {strides = array<i32>} : memref<2x80x160xf32, #tpu.memory_space<vmem>>, vector<1x1x16xf32>,
        %swap3A_719 = vector.shape_cast %swap3A_718 : vector<1x1x16xf32> to vector<16xf32>
        %swap3A_720 = vector.shape_cast %get3A_714 : vector<16xf32> to vector<1x1x16xf32>
        tpu.vector_store %arg15[%swap3A_715, %swap3A_716, %swap3A_717], %swap3A_720 {strides = array<i32>} : memref<2x80x160xf32, #tpu.memory_space<vmem>>, vector<1x1x16xf32>,
        %get3A_721 = arith.index_cast %rem3A_485 : i32 to index
        %get3A_722 = arith.index_cast %scan3A_667 : i32 to index
        %get3A_723 = arith.constant 16 : index
        %get3A_724 = tpu.vector_load %arg13[%get3A_721, %get3A_722, %get3A_723] {strides = array<i32>} : memref<2x80x128xf32, #tpu.memory_space<vmem>>, vector<1x1x16xf32>,
        %get3A_725 = vector.shape_cast %get3A_724 : vector<1x1x16xf32> to vector<16xf32>
        %swap3A_726 = arith.index_cast %rem3A_485 : i32 to index
        %swap3A_727 = arith.index_cast %scan3A_667 : i32 to index
        %swap3A_728 = arith.constant 80 : index
        %swap3A_729 = tpu.vector_load %arg15[%swap3A_726, %swap3A_727, %swap3A_728] {strides = array<i32>} : memref<2x80x160xf32, #tpu.memory_space<vmem>>, vector<1x1x16xf32>,
        %swap3A_730 = vector.shape_cast %swap3A_729 : vector<1x1x16xf32> to vector<16xf32>
        %swap3A_731 = vector.shape_cast %get3A_725 : vector<16xf32> to vector<1x1x16xf32>
        tpu.vector_store %arg15[%swap3A_726, %swap3A_727, %swap3A_728], %swap3A_731 {strides = array<i32>} : memref<2x80x160xf32, #tpu.memory_space<vmem>>, vector<1x1x16xf32>,
        %get3A_732 = arith.index_cast %rem3A_485 : i32 to index
        %get3A_733 = arith.index_cast %scan3A_667 : i32 to index
        %get3A_734 = arith.constant 0 : index
        %get3A_735 = tpu.vector_load %arg14[%get3A_732, %get3A_733, %get3A_734] {strides = array<i32>} : memref<2x80x128xf32, #tpu.memory_space<vmem>>, vector<1x1x16xf32>,
        %get3A_736 = vector.shape_cast %get3A_735 : vector<1x1x16xf32> to vector<16xf32>
        %swap3A_737 = arith.index_cast %rem3A_485 : i32 to index
        %swap3A_738 = arith.index_cast %scan3A_667 : i32 to index
        %swap3A_739 = arith.constant 96 : index
        %swap3A_740 = tpu.vector_load %arg15[%swap3A_737, %swap3A_738, %swap3A_739] {strides = array<i32>} : memref<2x80x160xf32, #tpu.memory_space<vmem>>, vector<1x1x16xf32>,
        %swap3A_741 = vector.shape_cast %swap3A_740 : vector<1x1x16xf32> to vector<16xf32>
        %swap3A_742 = vector.shape_cast %get3A_736 : vector<16xf32> to vector<1x1x16xf32>
        tpu.vector_store %arg15[%swap3A_737, %swap3A_738, %swap3A_739], %swap3A_742 {strides = array<i32>} : memref<2x80x160xf32, #tpu.memory_space<vmem>>, vector<1x1x16xf32>,
        %get3A_743 = arith.index_cast %rem3A_485 : i32 to index
        %get3A_744 = arith.index_cast %scan3A_667 : i32 to index
        %get3A_745 = arith.constant 16 : index
        %get3A_746 = tpu.vector_load %arg14[%get3A_743, %get3A_744, %get3A_745] {strides = array<i32>} : memref<2x80x128xf32, #tpu.memory_space<vmem>>, vector<1x1x16xf32>,
        %get3A_747 = vector.shape_cast %get3A_746 : vector<1x1x16xf32> to vector<16xf32>
        %swap3A_748 = arith.index_cast %rem3A_485 : i32 to index
        %swap3A_749 = arith.index_cast %scan3A_667 : i32 to index
        %swap3A_750 = arith.constant 112 : index
        %swap3A_751 = tpu.vector_load %arg15[%swap3A_748, %swap3A_749, %swap3A_750] {strides = array<i32>} : memref<2x80x160xf32, #tpu.memory_space<vmem>>, vector<1x1x16xf32>,
        %swap3A_752 = vector.shape_cast %swap3A_751 : vector<1x1x16xf32> to vector<16xf32>
        %swap3A_753 = vector.shape_cast %get3A_747 : vector<16xf32> to vector<1x1x16xf32>
        tpu.vector_store %arg15[%swap3A_748, %swap3A_749, %swap3A_750], %swap3A_753 {strides = array<i32>} : memref<2x80x160xf32, #tpu.memory_space<vmem>>, vector<1x1x16xf32>,
        %get3A_754 = arith.index_cast %rem3A_485 : i32 to index
        %get3A_755 = arith.index_cast %scan3A_667 : i32 to index
        %get3A_756 = arith.constant 32 : index
        %get3A_757 = tpu.vector_load %arg14[%get3A_754, %get3A_755, %get3A_756] {strides = array<i32>} : memref<2x80x128xf32, #tpu.memory_space<vmem>>, vector<1x1x16xf32>,
        %get3A_758 = vector.shape_cast %get3A_757 : vector<1x1x16xf32> to vector<16xf32>
        %swap3A_759 = arith.index_cast %rem3A_485 : i32 to index
        %swap3A_760 = arith.index_cast %scan3A_667 : i32 to index
        %swap3A_761 = arith.constant 128 : index
        %swap3A_762 = tpu.vector_load %arg15[%swap3A_759, %swap3A_760, %swap3A_761] {strides = array<i32>} : memref<2x80x160xf32, #tpu.memory_space<vmem>>, vector<1x1x16xf32>,
        %swap3A_763 = vector.shape_cast %swap3A_762 : vector<1x1x16xf32> to vector<16xf32>
        %swap3A_764 = vector.shape_cast %get3A_758 : vector<16xf32> to vector<1x1x16xf32>
        tpu.vector_store %arg15[%swap3A_759, %swap3A_760, %swap3A_761], %swap3A_764 {strides = array<i32>} : memref<2x80x160xf32, #tpu.memory_space<vmem>>, vector<1x1x16xf32>,
        %get3A_765 = arith.index_cast %rem3A_485 : i32 to index
        %get3A_766 = arith.index_cast %scan3A_667 : i32 to index
        %get3A_767 = arith.constant 48 : index
        %get3A_768 = tpu.vector_load %arg14[%get3A_765, %get3A_766, %get3A_767] {strides = array<i32>} : memref<2x80x128xf32, #tpu.memory_space<vmem>>, vector<1x1x16xf32>,
        %get3A_769 = vector.shape_cast %get3A_768 : vector<1x1x16xf32> to vector<16xf32>
        %swap3A_770 = arith.index_cast %rem3A_485 : i32 to index
        %swap3A_771 = arith.index_cast %scan3A_667 : i32 to index
        %swap3A_772 = arith.constant 144 : index
        %swap3A_773 = tpu.vector_load %arg15[%swap3A_770, %swap3A_771, %swap3A_772] {strides = array<i32>} : memref<2x80x160xf32, #tpu.memory_space<vmem>>, vector<1x1x16xf32>,
        %swap3A_774 = vector.shape_cast %swap3A_773 : vector<1x1x16xf32> to vector<16xf32>
        %swap3A_775 = vector.shape_cast %get3A_769 : vector<16xf32> to vector<1x1x16xf32>
        tpu.vector_store %arg15[%swap3A_770, %swap3A_771, %swap3A_772], %swap3A_775 {strides = array<i32>} : memref<2x80x160xf32, #tpu.memory_space<vmem>>, vector<1x1x16xf32>,
      }
      %scan3A_614 = arith.constant 80 : i32
      %add3A_615 = arith.constant 2 : i32
      %add3A_616 = arith.addi %scan3A_484, %add3A_615 : i32
      %mul3A_617 = arith.constant 80 : i32
      %mul3A_618 = arith.muli %add3A_616, %mul3A_617 : i32
      %add3A_619 = arith.addi %mul3A_2, %mul3A_618 : i32
      %dma_start3A_620 = arith.constant 0 : i32
      %dma_start3A_621 = tpu.memref_slice %arg9[%rem3A_485, %dma_start3A_620] : memref<2x80xi32, #tpu.memory_space<vmem>> -> memref<1x80xi32, #tpu.memory_space<vmem>>
      %dma_start3A_622 = tpu.memref_squeeze %dma_start3A_621 : memref<1x80xi32, #tpu.memory_space<vmem>> -> memref<80xi32, #tpu.memory_space<vmem>>
      %dma_start3A_623 = tpu.memref_slice %arg2[%add3A_619] : memref<819200xi32, #tpu.memory_space<hbm>> -> memref<80xi32, #tpu.memory_space<hbm>>
      %dma_start3A_624 = tpu.memref_slice %arg16[%rem3A_485] : memref<2x!tpu.dma_semaphore, #tpu.memory_space<semaphore_mem>> -> memref<1x!tpu.dma_semaphore, #tpu.memory_space<semaphore_mem>>
      %dma_start3A_625 = tpu.memref_squeeze %dma_start3A_624 : memref<1x!tpu.dma_semaphore, #tpu.memory_space<semaphore_mem>> -> memref<!tpu.dma_semaphore, #tpu.memory_space<semaphore_mem>>
      %dma_start3A_626 = arith.constant 0 : i32
      %dma_start3A_627 = tpu.memref_slice %arg9[%rem3A_485, %dma_start3A_626] : memref<2x80xi32, #tpu.memory_space<vmem>> -> memref<1x80xi32, #tpu.memory_space<vmem>>
      %dma_start3A_628 = tpu.memref_squeeze %dma_start3A_627 : memref<1x80xi32, #tpu.memory_space<vmem>> -> memref<80xi32, #tpu.memory_space<vmem>>
      %dma_start3A_629 = tpu.memref_slice %arg2[%add3A_619] : memref<819200xi32, #tpu.memory_space<hbm>> -> memref<80xi32, #tpu.memory_space<hbm>>
      tpu.enqueue_dma source(%dma_start3A_629 : memref<80xi32, #tpu.memory_space<hbm>>) target(%dma_start3A_628 : memref<80xi32, #tpu.memory_space<vmem>>) target_semaphore(%dma_start3A_625 : memref<!tpu.dma_semaphore, #tpu.memory_space<semaphore_mem>>)
      %dma_start3A_630 = arith.constant 0 : i32
      %dma_start3A_631 = tpu.memref_slice %arg10[%rem3A_485, %dma_start3A_630] : memref<2x80xi32, #tpu.memory_space<vmem>> -> memref<1x80xi32, #tpu.memory_space<vmem>>
      %dma_start3A_632 = tpu.memref_squeeze %dma_start3A_631 : memref<1x80xi32, #tpu.memory_space<vmem>> -> memref<80xi32, #tpu.memory_space<vmem>>
      %dma_start3A_633 = tpu.memref_slice %arg4[%add3A_619] : memref<819200xi32, #tpu.memory_space<hbm>> -> memref<80xi32, #tpu.memory_space<hbm>>
      %dma_start3A_634 = tpu.memref_slice %arg16[%rem3A_485] : memref<2x!tpu.dma_semaphore, #tpu.memory_space<semaphore_mem>> -> memref<1x!tpu.dma_semaphore, #tpu.memory_space<semaphore_mem>>
      %dma_start3A_635 = tpu.memref_squeeze %dma_start3A_634 : memref<1x!tpu.dma_semaphore, #tpu.memory_space<semaphore_mem>> -> memref<!tpu.dma_semaphore, #tpu.memory_space<semaphore_mem>>
      %dma_start3A_636 = arith.constant 0 : i32
      %dma_start3A_637 = tpu.memref_slice %arg10[%rem3A_485, %dma_start3A_636] : memref<2x80xi32, #tpu.memory_space<vmem>> -> memref<1x80xi32, #tpu.memory_space<vmem>>
      %dma_start3A_638 = tpu.memref_squeeze %dma_start3A_637 : memref<1x80xi32, #tpu.memory_space<vmem>> -> memref<80xi32, #tpu.memory_space<vmem>>
      %dma_start3A_639 = tpu.memref_slice %arg4[%add3A_619] : memref<819200xi32, #tpu.memory_space<hbm>> -> memref<80xi32, #tpu.memory_space<hbm>>
      tpu.enqueue_dma source(%dma_start3A_639 : memref<80xi32, #tpu.memory_space<hbm>>) target(%dma_start3A_638 : memref<80xi32, #tpu.memory_space<vmem>>) target_semaphore(%dma_start3A_635 : memref<!tpu.dma_semaphore, #tpu.memory_space<semaphore_mem>>)
      %dma_start3A_640 = arith.constant 0 : i32
      %dma_start3A_641 = tpu.memref_slice %arg11[%rem3A_485, %dma_start3A_640] : memref<2x80xi32, #tpu.memory_space<vmem>> -> memref<1x80xi32, #tpu.memory_space<vmem>>
      %dma_start3A_642 = tpu.memref_squeeze %dma_start3A_641 : memref<1x80xi32, #tpu.memory_space<vmem>> -> memref<80xi32, #tpu.memory_space<vmem>>
      %dma_start3A_643 = tpu.memref_slice %arg3[%add3A_619] : memref<819200xi32, #tpu.memory_space<hbm>> -> memref<80xi32, #tpu.memory_space<hbm>>
      %dma_start3A_644 = tpu.memref_slice %arg16[%rem3A_485] : memref<2x!tpu.dma_semaphore, #tpu.memory_space<semaphore_mem>> -> memref<1x!tpu.dma_semaphore, #tpu.memory_space<semaphore_mem>>
      %dma_start3A_645 = tpu.memref_squeeze %dma_start3A_644 : memref<1x!tpu.dma_semaphore, #tpu.memory_space<semaphore_mem>> -> memref<!tpu.dma_semaphore, #tpu.memory_space<semaphore_mem>>
      %dma_start3A_646 = arith.constant 0 : i32
      %dma_start3A_647 = tpu.memref_slice %arg11[%rem3A_485, %dma_start3A_646] : memref<2x80xi32, #tpu.memory_space<vmem>> -> memref<1x80xi32, #tpu.memory_space<vmem>>
      %dma_start3A_648 = tpu.memref_squeeze %dma_start3A_647 : memref<1x80xi32, #tpu.memory_space<vmem>> -> memref<80xi32, #tpu.memory_space<vmem>>
      %dma_start3A_649 = tpu.memref_slice %arg3[%add3A_619] : memref<819200xi32, #tpu.memory_space<hbm>> -> memref<80xi32, #tpu.memory_space<hbm>>
      tpu.enqueue_dma source(%dma_start3A_649 : memref<80xi32, #tpu.memory_space<hbm>>) target(%dma_start3A_648 : memref<80xi32, #tpu.memory_space<vmem>>) target_semaphore(%dma_start3A_645 : memref<!tpu.dma_semaphore, #tpu.memory_space<semaphore_mem>>)
      %mul3A_650 = arith.constant 80 : i32
      %mul3A_651 = arith.muli %scan3A_484, %mul3A_650 : i32
      %add3A_652 = arith.addi %mul3A_2, %mul3A_651 : i32
      %dma_start3A_653 = arith.constant 0 : i32
      %dma_start3A_654 = arith.constant 0 : i32
      %dma_start3A_655 = tpu.memref_slice %arg15[%rem3A_485, %dma_start3A_653, %dma_start3A_654] : memref<2x80x160xf32, #tpu.memory_space<vmem>> -> memref<1x80x160xf32, #tpu.memory_space<vmem>>
      %dma_start3A_656 = tpu.memref_squeeze %dma_start3A_655 : memref<1x80x160xf32, #tpu.memory_space<vmem>> -> memref<80x160xf32, #tpu.memory_space<vmem>>
      %dma_start3A_657 = arith.constant 0 : i32
      %dma_start3A_658 = tpu.memref_slice %arg8[%add3A_652, %dma_start3A_657] : memref<819200x160xf32, #tpu.memory_space<hbm>> -> memref<80x160xf32, #tpu.memory_space<hbm>>
      %dma_start3A_659 = tpu.memref_slice %arg18[%rem3A_485] : memref<2x!tpu.dma_semaphore, #tpu.memory_space<semaphore_mem>> -> memref<1x!tpu.dma_semaphore, #tpu.memory_space<semaphore_mem>>
      %dma_start3A_660 = tpu.memref_squeeze %dma_start3A_659 : memref<1x!tpu.dma_semaphore, #tpu.memory_space<semaphore_mem>> -> memref<!tpu.dma_semaphore, #tpu.memory_space<semaphore_mem>>
      %dma_start3A_661 = arith.constant 0 : i32
      %dma_start3A_662 = tpu.memref_slice %arg8[%add3A_652, %dma_start3A_661] : memref<819200x160xf32, #tpu.memory_space<hbm>> -> memref<80x160xf32, #tpu.memory_space<hbm>>
      %dma_start3A_663 = arith.constant 0 : i32
      %dma_start3A_664 = arith.constant 0 : i32
      %dma_start3A_665 = tpu.memref_slice %arg15[%rem3A_485, %dma_start3A_663, %dma_start3A_664] : memref<2x80x160xf32, #tpu.memory_space<vmem>> -> memref<1x80x160xf32, #tpu.memory_space<vmem>>
      %dma_start3A_666 = tpu.memref_squeeze %dma_start3A_665 : memref<1x80x160xf32, #tpu.memory_space<vmem>> -> memref<80x160xf32, #tpu.memory_space<vmem>>
      tpu.enqueue_dma source(%dma_start3A_666 : memref<80x160xf32, #tpu.memory_space<vmem>>) target(%dma_start3A_662 : memref<80x160xf32, #tpu.memory_space<hbm>>) target_semaphore(%dma_start3A_660 : memref<!tpu.dma_semaphore, #tpu.memory_space<semaphore_mem>>)
    }
    %scan3A_168 = arith.constant 318 : i32
    %dma_wait3A_169 = arith.constant 0 : i32
    %dma_wait3A_170 = arith.constant 0 : i32
    %dma_wait3A_171 = arith.constant 0 : i32
    %dma_wait3A_172 = arith.constant 0 : i32
    %dma_wait3A_173 = tpu.memref_slice %arg12[%dma_wait3A_169, %dma_wait3A_171, %dma_wait3A_172] : memref<2x80x128xf32, #tpu.memory_space<vmem>> -> memref<1x80x128xf32, #tpu.memory_space<vmem>>
    %dma_wait3A_174 = tpu.memref_squeeze %dma_wait3A_173 : memref<1x80x128xf32, #tpu.memory_space<vmem>> -> memref<80x128xf32, #tpu.memory_space<vmem>>
    %dma_wait3A_175 = arith.constant 0 : i32
    %dma_wait3A_176 = arith.constant 0 : i32
    %dma_wait3A_177 = tpu.memref_slice %arg5[%dma_wait3A_175, %dma_wait3A_176] : memref<100000x128xf32, #tpu.memory_space<hbm>> -> memref<80x128xf32, #tpu.memory_space<hbm>>
    %dma_wait3A_178 = tpu.memref_slice %arg17[%dma_wait3A_170] : memref<2x!tpu.dma_semaphore, #tpu.memory_space<semaphore_mem>> -> memref<1x!tpu.dma_semaphore, #tpu.memory_space<semaphore_mem>>
    %dma_wait3A_179 = tpu.memref_squeeze %dma_wait3A_178 : memref<1x!tpu.dma_semaphore, #tpu.memory_space<semaphore_mem>> -> memref<!tpu.dma_semaphore, #tpu.memory_space<semaphore_mem>>
    %dma_wait3A_180 = arith.constant 0 : i32
    %dma_wait3A_181 = arith.constant 0 : i32
    %dma_wait3A_182 = tpu.memref_slice %arg12[%dma_wait3A_169, %dma_wait3A_180, %dma_wait3A_181] : memref<2x80x128xf32, #tpu.memory_space<vmem>> -> memref<1x80x128xf32, #tpu.memory_space<vmem>>
    %dma_wait3A_183 = tpu.memref_squeeze %dma_wait3A_182 : memref<1x80x128xf32, #tpu.memory_space<vmem>> -> memref<80x128xf32, #tpu.memory_space<vmem>>
    %dma_wait3A_184 = arith.constant 0 : i32
    %dma_wait3A_185 = arith.constant 0 : i32
    %dma_wait3A_186 = tpu.memref_slice %arg5[%dma_wait3A_184, %dma_wait3A_185] : memref<100000x128xf32, #tpu.memory_space<hbm>> -> memref<80x128xf32, #tpu.memory_space<hbm>>
    tpu.wait_dma2 semaphore(%dma_wait3A_179 : memref<!tpu.dma_semaphore, #tpu.memory_space<semaphore_mem>>) src(%dma_wait3A_186 : memref<80x128xf32, #tpu.memory_space<hbm>>) dst(%dma_wait3A_183 : memref<80x128xf32, #tpu.memory_space<vmem>>)
    %dma_wait3A_187 = arith.constant 0 : i32
    %dma_wait3A_188 = arith.constant 0 : i32
    %dma_wait3A_189 = arith.constant 0 : i32
    %dma_wait3A_190 = arith.constant 0 : i32
    %dma_wait3A_191 = tpu.memref_slice %arg13[%dma_wait3A_187, %dma_wait3A_189, %dma_wait3A_190] : memref<2x80x128xf32, #tpu.memory_space<vmem>> -> memref<1x80x128xf32, #tpu.memory_space<vmem>>
    %dma_wait3A_192 = tpu.memref_squeeze %dma_wait3A_191 : memref<1x80x128xf32, #tpu.memory_space<vmem>> -> memref<80x128xf32, #tpu.memory_space<vmem>>
    %dma_wait3A_193 = arith.constant 0 : i32
    %dma_wait3A_194 = arith.constant 0 : i32
    %dma_wait3A_195 = tpu.memref_slice %arg7[%dma_wait3A_193, %dma_wait3A_194] : memref<1000x128xf32, #tpu.memory_space<hbm>> -> memref<80x128xf32, #tpu.memory_space<hbm>>
    %dma_wait3A_196 = tpu.memref_slice %arg17[%dma_wait3A_188] : memref<2x!tpu.dma_semaphore, #tpu.memory_space<semaphore_mem>> -> memref<1x!tpu.dma_semaphore, #tpu.memory_space<semaphore_mem>>
    %dma_wait3A_197 = tpu.memref_squeeze %dma_wait3A_196 : memref<1x!tpu.dma_semaphore, #tpu.memory_space<semaphore_mem>> -> memref<!tpu.dma_semaphore, #tpu.memory_space<semaphore_mem>>
    %dma_wait3A_198 = arith.constant 0 : i32
    %dma_wait3A_199 = arith.constant 0 : i32
    %dma_wait3A_200 = tpu.memref_slice %arg13[%dma_wait3A_187, %dma_wait3A_198, %dma_wait3A_199] : memref<2x80x128xf32, #tpu.memory_space<vmem>> -> memref<1x80x128xf32, #tpu.memory_space<vmem>>
    %dma_wait3A_201 = tpu.memref_squeeze %dma_wait3A_200 : memref<1x80x128xf32, #tpu.memory_space<vmem>> -> memref<80x128xf32, #tpu.memory_space<vmem>>
    %dma_wait3A_202 = arith.constant 0 : i32
    %dma_wait3A_203 = arith.constant 0 : i32
    %dma_wait3A_204 = tpu.memref_slice %arg7[%dma_wait3A_202, %dma_wait3A_203] : memref<1000x128xf32, #tpu.memory_space<hbm>> -> memref<80x128xf32, #tpu.memory_space<hbm>>
    tpu.wait_dma2 semaphore(%dma_wait3A_197 : memref<!tpu.dma_semaphore, #tpu.memory_space<semaphore_mem>>) src(%dma_wait3A_204 : memref<80x128xf32, #tpu.memory_space<hbm>>) dst(%dma_wait3A_201 : memref<80x128xf32, #tpu.memory_space<vmem>>)
    %dma_wait3A_205 = arith.constant 0 : i32
    %dma_wait3A_206 = arith.constant 0 : i32
    %dma_wait3A_207 = arith.constant 0 : i32
    %dma_wait3A_208 = arith.constant 0 : i32
    %dma_wait3A_209 = tpu.memref_slice %arg14[%dma_wait3A_205, %dma_wait3A_207, %dma_wait3A_208] : memref<2x80x128xf32, #tpu.memory_space<vmem>> -> memref<1x80x128xf32, #tpu.memory_space<vmem>>
    %dma_wait3A_210 = tpu.memref_squeeze %dma_wait3A_209 : memref<1x80x128xf32, #tpu.memory_space<vmem>> -> memref<80x128xf32, #tpu.memory_space<vmem>>
    %dma_wait3A_211 = arith.constant 0 : i32
    %dma_wait3A_212 = arith.constant 0 : i32
    %dma_wait3A_213 = tpu.memref_slice %arg6[%dma_wait3A_211, %dma_wait3A_212] : memref<1000000x128xf32, #tpu.memory_space<hbm>> -> memref<80x128xf32, #tpu.memory_space<hbm>>
    %dma_wait3A_214 = tpu.memref_slice %arg17[%dma_wait3A_206] : memref<2x!tpu.dma_semaphore, #tpu.memory_space<semaphore_mem>> -> memref<1x!tpu.dma_semaphore, #tpu.memory_space<semaphore_mem>>
    %dma_wait3A_215 = tpu.memref_squeeze %dma_wait3A_214 : memref<1x!tpu.dma_semaphore, #tpu.memory_space<semaphore_mem>> -> memref<!tpu.dma_semaphore, #tpu.memory_space<semaphore_mem>>
    %dma_wait3A_216 = arith.constant 0 : i32
    %dma_wait3A_217 = arith.constant 0 : i32
    %dma_wait3A_218 = tpu.memref_slice %arg14[%dma_wait3A_205, %dma_wait3A_216, %dma_wait3A_217] : memref<2x80x128xf32, #tpu.memory_space<vmem>> -> memref<1x80x128xf32, #tpu.memory_space<vmem>>
    %dma_wait3A_219 = tpu.memref_squeeze %dma_wait3A_218 : memref<1x80x128xf32, #tpu.memory_space<vmem>> -> memref<80x128xf32, #tpu.memory_space<vmem>>
    %dma_wait3A_220 = arith.constant 0 : i32
    %dma_wait3A_221 = arith.constant 0 : i32
    %dma_wait3A_222 = tpu.memref_slice %arg6[%dma_wait3A_220, %dma_wait3A_221] : memref<1000000x128xf32, #tpu.memory_space<hbm>> -> memref<80x128xf32, #tpu.memory_space<hbm>>
    tpu.wait_dma2 semaphore(%dma_wait3A_215 : memref<!tpu.dma_semaphore, #tpu.memory_space<semaphore_mem>>) src(%dma_wait3A_222 : memref<80x128xf32, #tpu.memory_space<hbm>>) dst(%dma_wait3A_219 : memref<80x128xf32, #tpu.memory_space<vmem>>)
    %dma_wait3A_223 = arith.constant 1 : i32
    %dma_wait3A_224 = arith.constant 1 : i32
    %dma_wait3A_225 = arith.constant 0 : i32
    %dma_wait3A_226 = tpu.memref_slice %arg9[%dma_wait3A_223, %dma_wait3A_225] : memref<2x80xi32, #tpu.memory_space<vmem>> -> memref<1x80xi32, #tpu.memory_space<vmem>>
    %dma_wait3A_227 = tpu.memref_squeeze %dma_wait3A_226 : memref<1x80xi32, #tpu.memory_space<vmem>> -> memref<80xi32, #tpu.memory_space<vmem>>
    %dma_wait3A_228 = arith.constant 0 : i32
    %dma_wait3A_229 = tpu.memref_slice %arg2[%dma_wait3A_228] : memref<819200xi32, #tpu.memory_space<hbm>> -> memref<80xi32, #tpu.memory_space<hbm>>
    %dma_wait3A_230 = tpu.memref_slice %arg16[%dma_wait3A_224] : memref<2x!tpu.dma_semaphore, #tpu.memory_space<semaphore_mem>> -> memref<1x!tpu.dma_semaphore, #tpu.memory_space<semaphore_mem>>
    %dma_wait3A_231 = tpu.memref_squeeze %dma_wait3A_230 : memref<1x!tpu.dma_semaphore, #tpu.memory_space<semaphore_mem>> -> memref<!tpu.dma_semaphore, #tpu.memory_space<semaphore_mem>>
    %dma_wait3A_232 = arith.constant 0 : i32
    %dma_wait3A_233 = tpu.memref_slice %arg9[%dma_wait3A_223, %dma_wait3A_232] : memref<2x80xi32, #tpu.memory_space<vmem>> -> memref<1x80xi32, #tpu.memory_space<vmem>>
    %dma_wait3A_234 = tpu.memref_squeeze %dma_wait3A_233 : memref<1x80xi32, #tpu.memory_space<vmem>> -> memref<80xi32, #tpu.memory_space<vmem>>
    %dma_wait3A_235 = arith.constant 0 : i32
    %dma_wait3A_236 = tpu.memref_slice %arg2[%dma_wait3A_235] : memref<819200xi32, #tpu.memory_space<hbm>> -> memref<80xi32, #tpu.memory_space<hbm>>
    tpu.wait_dma2 semaphore(%dma_wait3A_231 : memref<!tpu.dma_semaphore, #tpu.memory_space<semaphore_mem>>) src(%dma_wait3A_236 : memref<80xi32, #tpu.memory_space<hbm>>) dst(%dma_wait3A_234 : memref<80xi32, #tpu.memory_space<vmem>>)
    %dma_wait3A_237 = arith.constant 1 : i32
    %dma_wait3A_238 = arith.constant 1 : i32
    %dma_wait3A_239 = arith.constant 0 : i32
    %dma_wait3A_240 = tpu.memref_slice %arg9[%dma_wait3A_237, %dma_wait3A_239] : memref<2x80xi32, #tpu.memory_space<vmem>> -> memref<1x80xi32, #tpu.memory_space<vmem>>
    %dma_wait3A_241 = tpu.memref_squeeze %dma_wait3A_240 : memref<1x80xi32, #tpu.memory_space<vmem>> -> memref<80xi32, #tpu.memory_space<vmem>>
    %dma_wait3A_242 = arith.constant 0 : i32
    %dma_wait3A_243 = tpu.memref_slice %arg2[%dma_wait3A_242] : memref<819200xi32, #tpu.memory_space<hbm>> -> memref<80xi32, #tpu.memory_space<hbm>>
    %dma_wait3A_244 = tpu.memref_slice %arg16[%dma_wait3A_238] : memref<2x!tpu.dma_semaphore, #tpu.memory_space<semaphore_mem>> -> memref<1x!tpu.dma_semaphore, #tpu.memory_space<semaphore_mem>>
    %dma_wait3A_245 = tpu.memref_squeeze %dma_wait3A_244 : memref<1x!tpu.dma_semaphore, #tpu.memory_space<semaphore_mem>> -> memref<!tpu.dma_semaphore, #tpu.memory_space<semaphore_mem>>
    %dma_wait3A_246 = arith.constant 0 : i32
    %dma_wait3A_247 = tpu.memref_slice %arg9[%dma_wait3A_237, %dma_wait3A_246] : memref<2x80xi32, #tpu.memory_space<vmem>> -> memref<1x80xi32, #tpu.memory_space<vmem>>
    %dma_wait3A_248 = tpu.memref_squeeze %dma_wait3A_247 : memref<1x80xi32, #tpu.memory_space<vmem>> -> memref<80xi32, #tpu.memory_space<vmem>>
    %dma_wait3A_249 = arith.constant 0 : i32
    %dma_wait3A_250 = tpu.memref_slice %arg2[%dma_wait3A_249] : memref<819200xi32, #tpu.memory_space<hbm>> -> memref<80xi32, #tpu.memory_space<hbm>>
    tpu.wait_dma2 semaphore(%dma_wait3A_245 : memref<!tpu.dma_semaphore, #tpu.memory_space<semaphore_mem>>) src(%dma_wait3A_250 : memref<80xi32, #tpu.memory_space<hbm>>) dst(%dma_wait3A_248 : memref<80xi32, #tpu.memory_space<vmem>>)
    %dma_wait3A_251 = arith.constant 1 : i32
    %dma_wait3A_252 = arith.constant 1 : i32
    %dma_wait3A_253 = arith.constant 0 : i32
    %dma_wait3A_254 = tpu.memref_slice %arg9[%dma_wait3A_251, %dma_wait3A_253] : memref<2x80xi32, #tpu.memory_space<vmem>> -> memref<1x80xi32, #tpu.memory_space<vmem>>
    %dma_wait3A_255 = tpu.memref_squeeze %dma_wait3A_254 : memref<1x80xi32, #tpu.memory_space<vmem>> -> memref<80xi32, #tpu.memory_space<vmem>>
    %dma_wait3A_256 = arith.constant 0 : i32
    %dma_wait3A_257 = tpu.memref_slice %arg2[%dma_wait3A_256] : memref<819200xi32, #tpu.memory_space<hbm>> -> memref<80xi32, #tpu.memory_space<hbm>>
    %dma_wait3A_258 = tpu.memref_slice %arg16[%dma_wait3A_252] : memref<2x!tpu.dma_semaphore, #tpu.memory_space<semaphore_mem>> -> memref<1x!tpu.dma_semaphore, #tpu.memory_space<semaphore_mem>>
    %dma_wait3A_259 = tpu.memref_squeeze %dma_wait3A_258 : memref<1x!tpu.dma_semaphore, #tpu.memory_space<semaphore_mem>> -> memref<!tpu.dma_semaphore, #tpu.memory_space<semaphore_mem>>
    %dma_wait3A_260 = arith.constant 0 : i32
    %dma_wait3A_261 = tpu.memref_slice %arg9[%dma_wait3A_251, %dma_wait3A_260] : memref<2x80xi32, #tpu.memory_space<vmem>> -> memref<1x80xi32, #tpu.memory_space<vmem>>
    %dma_wait3A_262 = tpu.memref_squeeze %dma_wait3A_261 : memref<1x80xi32, #tpu.memory_space<vmem>> -> memref<80xi32, #tpu.memory_space<vmem>>
    %dma_wait3A_263 = arith.constant 0 : i32
    %dma_wait3A_264 = tpu.memref_slice %arg2[%dma_wait3A_263] : memref<819200xi32, #tpu.memory_space<hbm>> -> memref<80xi32, #tpu.memory_space<hbm>>
    tpu.wait_dma2 semaphore(%dma_wait3A_259 : memref<!tpu.dma_semaphore, #tpu.memory_space<semaphore_mem>>) src(%dma_wait3A_264 : memref<80xi32, #tpu.memory_space<hbm>>) dst(%dma_wait3A_262 : memref<80xi32, #tpu.memory_space<vmem>>)
    %dma_start3A_265 = arith.constant 1 : i32
    %dma_start3A_266 = arith.constant 1 : i32
    %dma_start3A_267 = arith.constant 1 : i32
    %dma_start3A_268 = arith.constant 0 : i32
    %dma_start3A_269 = arith.constant 0 : i32
    %dma_start3A_270 = tpu.memref_slice %arg12[%dma_start3A_266, %dma_start3A_268, %dma_start3A_269] : memref<2x80x128xf32, #tpu.memory_space<vmem>> -> memref<1x80x128xf32, #tpu.memory_space<vmem>>
    %dma_start3A_271 = tpu.memref_squeeze %dma_start3A_270 : memref<1x80x128xf32, #tpu.memory_space<vmem>> -> memref<80x128xf32, #tpu.memory_space<vmem>>
    %dma_start3A_272 = arith.constant 0 : i32
    %dma_start3A_273 = tpu.memref_slice %arg9[%dma_start3A_265, %dma_start3A_272] : memref<2x80xi32, #tpu.memory_space<vmem>> -> memref<1x80xi32, #tpu.memory_space<vmem>>
    %dma_start3A_274 = tpu.memref_squeeze %dma_start3A_273 : memref<1x80xi32, #tpu.memory_space<vmem>> -> memref<80xi32, #tpu.memory_space<vmem>>
    %dma_start3A_275 = arith.constant 0 : i32
    %dma_start3A_276 = arith.constant 0 : i32
    %dma_start3A_277 = tpu.memref_slice %arg5[%dma_start3A_275, %dma_start3A_276] : memref<100000x128xf32, #tpu.memory_space<hbm>> -> memref<100000x128xf32, #tpu.memory_space<hbm>>
    %dma_start3A_278 = tpu.memref_slice %arg17[%dma_start3A_267] : memref<2x!tpu.dma_semaphore, #tpu.memory_space<semaphore_mem>> -> memref<1x!tpu.dma_semaphore, #tpu.memory_space<semaphore_mem>>
    %dma_start3A_279 = tpu.memref_squeeze %dma_start3A_278 : memref<1x!tpu.dma_semaphore, #tpu.memory_space<semaphore_mem>> -> memref<!tpu.dma_semaphore, #tpu.memory_space<semaphore_mem>>
    tpu.enqueue_indirect_dma source(%dma_start3A_277 : memref<100000x128xf32, #tpu.memory_space<hbm>>) target(%dma_start3A_271 : memref<80x128xf32, #tpu.memory_space<vmem>>) offsets(%dma_start3A_274 : memref<80xi32, #tpu.memory_space<vmem>>) semaphore(%dma_start3A_279 : memref<!tpu.dma_semaphore, #tpu.memory_space<semaphore_mem>>)
    %dma_start3A_280 = arith.constant 1 : i32
    %dma_start3A_281 = arith.constant 1 : i32
    %dma_start3A_282 = arith.constant 1 : i32
    %dma_start3A_283 = arith.constant 0 : i32
    %dma_start3A_284 = arith.constant 0 : i32
    %dma_start3A_285 = tpu.memref_slice %arg13[%dma_start3A_281, %dma_start3A_283, %dma_start3A_284] : memref<2x80x128xf32, #tpu.memory_space<vmem>> -> memref<1x80x128xf32, #tpu.memory_space<vmem>>
    %dma_start3A_286 = tpu.memref_squeeze %dma_start3A_285 : memref<1x80x128xf32, #tpu.memory_space<vmem>> -> memref<80x128xf32, #tpu.memory_space<vmem>>
    %dma_start3A_287 = arith.constant 0 : i32
    %dma_start3A_288 = tpu.memref_slice %arg10[%dma_start3A_280, %dma_start3A_287] : memref<2x80xi32, #tpu.memory_space<vmem>> -> memref<1x80xi32, #tpu.memory_space<vmem>>
    %dma_start3A_289 = tpu.memref_squeeze %dma_start3A_288 : memref<1x80xi32, #tpu.memory_space<vmem>> -> memref<80xi32, #tpu.memory_space<vmem>>
    %dma_start3A_290 = arith.constant 0 : i32
    %dma_start3A_291 = arith.constant 0 : i32
    %dma_start3A_292 = tpu.memref_slice %arg7[%dma_start3A_290, %dma_start3A_291] : memref<1000x128xf32, #tpu.memory_space<hbm>> -> memref<1000x128xf32, #tpu.memory_space<hbm>>
    %dma_start3A_293 = tpu.memref_slice %arg17[%dma_start3A_282] : memref<2x!tpu.dma_semaphore, #tpu.memory_space<semaphore_mem>> -> memref<1x!tpu.dma_semaphore, #tpu.memory_space<semaphore_mem>>
    %dma_start3A_294 = tpu.memref_squeeze %dma_start3A_293 : memref<1x!tpu.dma_semaphore, #tpu.memory_space<semaphore_mem>> -> memref<!tpu.dma_semaphore, #tpu.memory_space<semaphore_mem>>
    tpu.enqueue_indirect_dma source(%dma_start3A_292 : memref<1000x128xf32, #tpu.memory_space<hbm>>) target(%dma_start3A_286 : memref<80x128xf32, #tpu.memory_space<vmem>>) offsets(%dma_start3A_289 : memref<80xi32, #tpu.memory_space<vmem>>) semaphore(%dma_start3A_294 : memref<!tpu.dma_semaphore, #tpu.memory_space<semaphore_mem>>)
    %dma_start3A_295 = arith.constant 1 : i32
    %dma_start3A_296 = arith.constant 1 : i32
    %dma_start3A_297 = arith.constant 1 : i32
    %dma_start3A_298 = arith.constant 0 : i32
    %dma_start3A_299 = arith.constant 0 : i32
    %dma_start3A_300 = tpu.memref_slice %arg14[%dma_start3A_296, %dma_start3A_298, %dma_start3A_299] : memref<2x80x128xf32, #tpu.memory_space<vmem>> -> memref<1x80x128xf32, #tpu.memory_space<vmem>>
    %dma_start3A_301 = tpu.memref_squeeze %dma_start3A_300 : memref<1x80x128xf32, #tpu.memory_space<vmem>> -> memref<80x128xf32, #tpu.memory_space<vmem>>
    %dma_start3A_302 = arith.constant 0 : i32
    %dma_start3A_303 = tpu.memref_slice %arg11[%dma_start3A_295, %dma_start3A_302] : memref<2x80xi32, #tpu.memory_space<vmem>> -> memref<1x80xi32, #tpu.memory_space<vmem>>
    %dma_start3A_304 = tpu.memref_squeeze %dma_start3A_303 : memref<1x80xi32, #tpu.memory_space<vmem>> -> memref<80xi32, #tpu.memory_space<vmem>>
    %dma_start3A_305 = arith.constant 0 : i32
    %dma_start3A_306 = arith.constant 0 : i32
    %dma_start3A_307 = tpu.memref_slice %arg6[%dma_start3A_305, %dma_start3A_306] : memref<1000000x128xf32, #tpu.memory_space<hbm>> -> memref<1000000x128xf32, #tpu.memory_space<hbm>>
    %dma_start3A_308 = tpu.memref_slice %arg17[%dma_start3A_297] : memref<2x!tpu.dma_semaphore, #tpu.memory_space<semaphore_mem>> -> memref<1x!tpu.dma_semaphore, #tpu.memory_space<semaphore_mem>>
    %dma_start3A_309 = tpu.memref_squeeze %dma_start3A_308 : memref<1x!tpu.dma_semaphore, #tpu.memory_space<semaphore_mem>> -> memref<!tpu.dma_semaphore, #tpu.memory_space<semaphore_mem>>
    tpu.enqueue_indirect_dma source(%dma_start3A_307 : memref<1000000x128xf32, #tpu.memory_space<hbm>>) target(%dma_start3A_301 : memref<80x128xf32, #tpu.memory_space<vmem>>) offsets(%dma_start3A_304 : memref<80xi32, #tpu.memory_space<vmem>>) semaphore(%dma_start3A_309 : memref<!tpu.dma_semaphore, #tpu.memory_space<semaphore_mem>>)
    %dma_wait3A_310 = arith.constant 0 : i32
    %dma_wait3A_311 = arith.constant 0 : i32
    %dma_wait3A_312 = arith.constant 0 : i32
    %dma_wait3A_313 = arith.constant 0 : i32
    %dma_wait3A_314 = tpu.memref_slice %arg15[%dma_wait3A_310, %dma_wait3A_312, %dma_wait3A_313] : memref<2x80x160xf32, #tpu.memory_space<vmem>> -> memref<1x80x160xf32, #tpu.memory_space<vmem>>
    %dma_wait3A_315 = tpu.memref_squeeze %dma_wait3A_314 : memref<1x80x160xf32, #tpu.memory_space<vmem>> -> memref<80x160xf32, #tpu.memory_space<vmem>>
    %dma_wait3A_316 = arith.constant 0 : i32
    %dma_wait3A_317 = arith.constant 0 : i32
    %dma_wait3A_318 = tpu.memref_slice %arg8[%dma_wait3A_316, %dma_wait3A_317] : memref<819200x160xf32, #tpu.memory_space<hbm>> -> memref<80x160xf32, #tpu.memory_space<hbm>>
    %dma_wait3A_319 = tpu.memref_slice %arg18[%dma_wait3A_311] : memref<2x!tpu.dma_semaphore, #tpu.memory_space<semaphore_mem>> -> memref<1x!tpu.dma_semaphore, #tpu.memory_space<semaphore_mem>>
    %dma_wait3A_320 = tpu.memref_squeeze %dma_wait3A_319 : memref<1x!tpu.dma_semaphore, #tpu.memory_space<semaphore_mem>> -> memref<!tpu.dma_semaphore, #tpu.memory_space<semaphore_mem>>
    %dma_wait3A_321 = arith.constant 0 : i32
    %dma_wait3A_322 = arith.constant 0 : i32
    %dma_wait3A_323 = tpu.memref_slice %arg15[%dma_wait3A_310, %dma_wait3A_321, %dma_wait3A_322] : memref<2x80x160xf32, #tpu.memory_space<vmem>> -> memref<1x80x160xf32, #tpu.memory_space<vmem>>
    %dma_wait3A_324 = tpu.memref_squeeze %dma_wait3A_323 : memref<1x80x160xf32, #tpu.memory_space<vmem>> -> memref<80x160xf32, #tpu.memory_space<vmem>>
    %dma_wait3A_325 = arith.constant 0 : i32
    %dma_wait3A_326 = arith.constant 0 : i32
    %dma_wait3A_327 = tpu.memref_slice %arg8[%dma_wait3A_325, %dma_wait3A_326] : memref<819200x160xf32, #tpu.memory_space<hbm>> -> memref<80x160xf32, #tpu.memory_space<hbm>>
    tpu.wait_dma2 semaphore(%dma_wait3A_320 : memref<!tpu.dma_semaphore, #tpu.memory_space<semaphore_mem>>) src(%dma_wait3A_327 : memref<80x160xf32, #tpu.memory_space<hbm>>) dst(%dma_wait3A_324 : memref<80x160xf32, #tpu.memory_space<vmem>>)
    %scan3A_328 = arith.constant 0 : i32
    %scan3A_329 = arith.constant 0 : i32
    %scan3A_330 = arith.constant 80 : i32
    %scan3A_331 = arith.addi %scan3A_329, %scan3A_330 : i32
    %scan3A_332 = arith.constant 1 : i32
    scf.for %scan3A_484 = %scan3A_329 to %scan3A_331 step %scan3A_332  : i32 {
      %get3A = arith.constant 0 : i32
      %get3A_485 = arith.index_cast %get3A : i32 to index
      %get3A_486 = arith.index_cast %scan3A_484 : i32 to index
      %get3A_487 = arith.constant 0 : index
      %get3A_488 = tpu.vector_load %arg12[%get3A_485, %get3A_486, %get3A_487] {strides = array<i32>} : memref<2x80x128xf32, #tpu.memory_space<vmem>>, vector<1x1x16xf32>,
      %get3A_489 = vector.shape_cast %get3A_488 : vector<1x1x16xf32> to vector<16xf32>
      %swap3A = arith.constant 0 : i32
      %swap3A_490 = arith.index_cast %swap3A : i32 to index
      %swap3A_491 = arith.index_cast %scan3A_484 : i32 to index
      %swap3A_492 = arith.constant 0 : index
      %swap3A_493 = tpu.vector_load %arg15[%swap3A_490, %swap3A_491, %swap3A_492] {strides = array<i32>} : memref<2x80x160xf32, #tpu.memory_space<vmem>>, vector<1x1x16xf32>,
      %swap3A_494 = vector.shape_cast %swap3A_493 : vector<1x1x16xf32> to vector<16xf32>
      %swap3A_495 = vector.shape_cast %get3A_489 : vector<16xf32> to vector<1x1x16xf32>
      tpu.vector_store %arg15[%swap3A_490, %swap3A_491, %swap3A_492], %swap3A_495 {strides = array<i32>} : memref<2x80x160xf32, #tpu.memory_space<vmem>>, vector<1x1x16xf32>,
      %get3A_496 = arith.constant 0 : i32
      %get3A_497 = arith.index_cast %get3A_496 : i32 to index
      %get3A_498 = arith.index_cast %scan3A_484 : i32 to index
      %get3A_499 = arith.constant 16 : index
      %get3A_500 = tpu.vector_load %arg12[%get3A_497, %get3A_498, %get3A_499] {strides = array<i32>} : memref<2x80x128xf32, #tpu.memory_space<vmem>>, vector<1x1x16xf32>,
      %get3A_501 = vector.shape_cast %get3A_500 : vector<1x1x16xf32> to vector<16xf32>
      %swap3A_502 = arith.constant 0 : i32
      %swap3A_503 = arith.index_cast %swap3A_502 : i32 to index
      %swap3A_504 = arith.index_cast %scan3A_484 : i32 to index
      %swap3A_505 = arith.constant 16 : index
      %swap3A_506 = tpu.vector_load %arg15[%swap3A_503, %swap3A_504, %swap3A_505] {strides = array<i32>} : memref<2x80x160xf32, #tpu.memory_space<vmem>>, vector<1x1x16xf32>,
      %swap3A_507 = vector.shape_cast %swap3A_506 : vector<1x1x16xf32> to vector<16xf32>
      %swap3A_508 = vector.shape_cast %get3A_501 : vector<16xf32> to vector<1x1x16xf32>
      tpu.vector_store %arg15[%swap3A_503, %swap3A_504, %swap3A_505], %swap3A_508 {strides = array<i32>} : memref<2x80x160xf32, #tpu.memory_space<vmem>>, vector<1x1x16xf32>,
      %get3A_509 = arith.constant 0 : i32
      %get3A_510 = arith.index_cast %get3A_509 : i32 to index
      %get3A_511 = arith.index_cast %scan3A_484 : i32 to index
      %get3A_512 = arith.constant 32 : index
      %get3A_513 = tpu.vector_load %arg12[%get3A_510, %get3A_511, %get3A_512] {strides = array<i32>} : memref<2x80x128xf32, #tpu.memory_space<vmem>>, vector<1x1x16xf32>,
      %get3A_514 = vector.shape_cast %get3A_513 : vector<1x1x16xf32> to vector<16xf32>
      %swap3A_515 = arith.constant 0 : i32
      %swap3A_516 = arith.index_cast %swap3A_515 : i32 to index
      %swap3A_517 = arith.index_cast %scan3A_484 : i32 to index
      %swap3A_518 = arith.constant 32 : index
      %swap3A_519 = tpu.vector_load %arg15[%swap3A_516, %swap3A_517, %swap3A_518] {strides = array<i32>} : memref<2x80x160xf32, #tpu.memory_space<vmem>>, vector<1x1x16xf32>,
      %swap3A_520 = vector.shape_cast %swap3A_519 : vector<1x1x16xf32> to vector<16xf32>
      %swap3A_521 = vector.shape_cast %get3A_514 : vector<16xf32> to vector<1x1x16xf32>
      tpu.vector_store %arg15[%swap3A_516, %swap3A_517, %swap3A_518], %swap3A_521 {strides = array<i32>} : memref<2x80x160xf32, #tpu.memory_space<vmem>>, vector<1x1x16xf32>,
      %get3A_522 = arith.constant 0 : i32
      %get3A_523 = arith.index_cast %get3A_522 : i32 to index
      %get3A_524 = arith.index_cast %scan3A_484 : i32 to index
      %get3A_525 = arith.constant 48 : index
      %get3A_526 = tpu.vector_load %arg12[%get3A_523, %get3A_524, %get3A_525] {strides = array<i32>} : memref<2x80x128xf32, #tpu.memory_space<vmem>>, vector<1x1x16xf32>,
      %get3A_527 = vector.shape_cast %get3A_526 : vector<1x1x16xf32> to vector<16xf32>
      %swap3A_528 = arith.constant 0 : i32
      %swap3A_529 = arith.index_cast %swap3A_528 : i32 to index
      %swap3A_530 = arith.index_cast %scan3A_484 : i32 to index
      %swap3A_531 = arith.constant 48 : index
      %swap3A_532 = tpu.vector_load %arg15[%swap3A_529, %swap3A_530, %swap3A_531] {strides = array<i32>} : memref<2x80x160xf32, #tpu.memory_space<vmem>>, vector<1x1x16xf32>,
      %swap3A_533 = vector.shape_cast %swap3A_532 : vector<1x1x16xf32> to vector<16xf32>
      %swap3A_534 = vector.shape_cast %get3A_527 : vector<16xf32> to vector<1x1x16xf32>
      tpu.vector_store %arg15[%swap3A_529, %swap3A_530, %swap3A_531], %swap3A_534 {strides = array<i32>} : memref<2x80x160xf32, #tpu.memory_space<vmem>>, vector<1x1x16xf32>,
      %get3A_535 = arith.constant 0 : i32
      %get3A_536 = arith.index_cast %get3A_535 : i32 to index
      %get3A_537 = arith.index_cast %scan3A_484 : i32 to index
      %get3A_538 = arith.constant 0 : index
      %get3A_539 = tpu.vector_load %arg13[%get3A_536, %get3A_537, %get3A_538] {strides = array<i32>} : memref<2x80x128xf32, #tpu.memory_space<vmem>>, vector<1x1x16xf32>,
      %get3A_540 = vector.shape_cast %get3A_539 : vector<1x1x16xf32> to vector<16xf32>
      %swap3A_541 = arith.constant 0 : i32
      %swap3A_542 = arith.index_cast %swap3A_541 : i32 to index
      %swap3A_543 = arith.index_cast %scan3A_484 : i32 to index
      %swap3A_544 = arith.constant 64 : index
      %swap3A_545 = tpu.vector_load %arg15[%swap3A_542, %swap3A_543, %swap3A_544] {strides = array<i32>} : memref<2x80x160xf32, #tpu.memory_space<vmem>>, vector<1x1x16xf32>,
      %swap3A_546 = vector.shape_cast %swap3A_545 : vector<1x1x16xf32> to vector<16xf32>
      %swap3A_547 = vector.shape_cast %get3A_540 : vector<16xf32> to vector<1x1x16xf32>
      tpu.vector_store %arg15[%swap3A_542, %swap3A_543, %swap3A_544], %swap3A_547 {strides = array<i32>} : memref<2x80x160xf32, #tpu.memory_space<vmem>>, vector<1x1x16xf32>,
      %get3A_548 = arith.constant 0 : i32
      %get3A_549 = arith.index_cast %get3A_548 : i32 to index
      %get3A_550 = arith.index_cast %scan3A_484 : i32 to index
      %get3A_551 = arith.constant 16 : index
      %get3A_552 = tpu.vector_load %arg13[%get3A_549, %get3A_550, %get3A_551] {strides = array<i32>} : memref<2x80x128xf32, #tpu.memory_space<vmem>>, vector<1x1x16xf32>,
      %get3A_553 = vector.shape_cast %get3A_552 : vector<1x1x16xf32> to vector<16xf32>
      %swap3A_554 = arith.constant 0 : i32
      %swap3A_555 = arith.index_cast %swap3A_554 : i32 to index
      %swap3A_556 = arith.index_cast %scan3A_484 : i32 to index
      %swap3A_557 = arith.constant 80 : index
      %swap3A_558 = tpu.vector_load %arg15[%swap3A_555, %swap3A_556, %swap3A_557] {strides = array<i32>} : memref<2x80x160xf32, #tpu.memory_space<vmem>>, vector<1x1x16xf32>,
      %swap3A_559 = vector.shape_cast %swap3A_558 : vector<1x1x16xf32> to vector<16xf32>
      %swap3A_560 = vector.shape_cast %get3A_553 : vector<16xf32> to vector<1x1x16xf32>
      tpu.vector_store %arg15[%swap3A_555, %swap3A_556, %swap3A_557], %swap3A_560 {strides = array<i32>} : memref<2x80x160xf32, #tpu.memory_space<vmem>>, vector<1x1x16xf32>,
      %get3A_561 = arith.constant 0 : i32
      %get3A_562 = arith.index_cast %get3A_561 : i32 to index
      %get3A_563 = arith.index_cast %scan3A_484 : i32 to index
      %get3A_564 = arith.constant 0 : index
      %get3A_565 = tpu.vector_load %arg14[%get3A_562, %get3A_563, %get3A_564] {strides = array<i32>} : memref<2x80x128xf32, #tpu.memory_space<vmem>>, vector<1x1x16xf32>,
      %get3A_566 = vector.shape_cast %get3A_565 : vector<1x1x16xf32> to vector<16xf32>
      %swap3A_567 = arith.constant 0 : i32
      %swap3A_568 = arith.index_cast %swap3A_567 : i32 to index
      %swap3A_569 = arith.index_cast %scan3A_484 : i32 to index
      %swap3A_570 = arith.constant 96 : index
      %swap3A_571 = tpu.vector_load %arg15[%swap3A_568, %swap3A_569, %swap3A_570] {strides = array<i32>} : memref<2x80x160xf32, #tpu.memory_space<vmem>>, vector<1x1x16xf32>,
      %swap3A_572 = vector.shape_cast %swap3A_571 : vector<1x1x16xf32> to vector<16xf32>
      %swap3A_573 = vector.shape_cast %get3A_566 : vector<16xf32> to vector<1x1x16xf32>
      tpu.vector_store %arg15[%swap3A_568, %swap3A_569, %swap3A_570], %swap3A_573 {strides = array<i32>} : memref<2x80x160xf32, #tpu.memory_space<vmem>>, vector<1x1x16xf32>,
      %get3A_574 = arith.constant 0 : i32
      %get3A_575 = arith.index_cast %get3A_574 : i32 to index
      %get3A_576 = arith.index_cast %scan3A_484 : i32 to index
      %get3A_577 = arith.constant 16 : index
      %get3A_578 = tpu.vector_load %arg14[%get3A_575, %get3A_576, %get3A_577] {strides = array<i32>} : memref<2x80x128xf32, #tpu.memory_space<vmem>>, vector<1x1x16xf32>,
      %get3A_579 = vector.shape_cast %get3A_578 : vector<1x1x16xf32> to vector<16xf32>
      %swap3A_580 = arith.constant 0 : i32
      %swap3A_581 = arith.index_cast %swap3A_580 : i32 to index
      %swap3A_582 = arith.index_cast %scan3A_484 : i32 to index
      %swap3A_583 = arith.constant 112 : index
      %swap3A_584 = tpu.vector_load %arg15[%swap3A_581, %swap3A_582, %swap3A_583] {strides = array<i32>} : memref<2x80x160xf32, #tpu.memory_space<vmem>>, vector<1x1x16xf32>,
      %swap3A_585 = vector.shape_cast %swap3A_584 : vector<1x1x16xf32> to vector<16xf32>
      %swap3A_586 = vector.shape_cast %get3A_579 : vector<16xf32> to vector<1x1x16xf32>
      tpu.vector_store %arg15[%swap3A_581, %swap3A_582, %swap3A_583], %swap3A_586 {strides = array<i32>} : memref<2x80x160xf32, #tpu.memory_space<vmem>>, vector<1x1x16xf32>,
      %get3A_587 = arith.constant 0 : i32
      %get3A_588 = arith.index_cast %get3A_587 : i32 to index
      %get3A_589 = arith.index_cast %scan3A_484 : i32 to index
      %get3A_590 = arith.constant 32 : index
      %get3A_591 = tpu.vector_load %arg14[%get3A_588, %get3A_589, %get3A_590] {strides = array<i32>} : memref<2x80x128xf32, #tpu.memory_space<vmem>>, vector<1x1x16xf32>,
      %get3A_592 = vector.shape_cast %get3A_591 : vector<1x1x16xf32> to vector<16xf32>
      %swap3A_593 = arith.constant 0 : i32
      %swap3A_594 = arith.index_cast %swap3A_593 : i32 to index
      %swap3A_595 = arith.index_cast %scan3A_484 : i32 to index
      %swap3A_596 = arith.constant 128 : index
      %swap3A_597 = tpu.vector_load %arg15[%swap3A_594, %swap3A_595, %swap3A_596] {strides = array<i32>} : memref<2x80x160xf32, #tpu.memory_space<vmem>>, vector<1x1x16xf32>,
      %swap3A_598 = vector.shape_cast %swap3A_597 : vector<1x1x16xf32> to vector<16xf32>
      %swap3A_599 = vector.shape_cast %get3A_592 : vector<16xf32> to vector<1x1x16xf32>
      tpu.vector_store %arg15[%swap3A_594, %swap3A_595, %swap3A_596], %swap3A_599 {strides = array<i32>} : memref<2x80x160xf32, #tpu.memory_space<vmem>>, vector<1x1x16xf32>,
      %get3A_600 = arith.constant 0 : i32
      %get3A_601 = arith.index_cast %get3A_600 : i32 to index
      %get3A_602 = arith.index_cast %scan3A_484 : i32 to index
      %get3A_603 = arith.constant 48 : index
      %get3A_604 = tpu.vector_load %arg14[%get3A_601, %get3A_602, %get3A_603] {strides = array<i32>} : memref<2x80x128xf32, #tpu.memory_space<vmem>>, vector<1x1x16xf32>,
      %get3A_605 = vector.shape_cast %get3A_604 : vector<1x1x16xf32> to vector<16xf32>
      %swap3A_606 = arith.constant 0 : i32
      %swap3A_607 = arith.index_cast %swap3A_606 : i32 to index
      %swap3A_608 = arith.index_cast %scan3A_484 : i32 to index
      %swap3A_609 = arith.constant 144 : index
      %swap3A_610 = tpu.vector_load %arg15[%swap3A_607, %swap3A_608, %swap3A_609] {strides = array<i32>} : memref<2x80x160xf32, #tpu.memory_space<vmem>>, vector<1x1x16xf32>,
      %swap3A_611 = vector.shape_cast %swap3A_610 : vector<1x1x16xf32> to vector<16xf32>
      %swap3A_612 = vector.shape_cast %get3A_605 : vector<16xf32> to vector<1x1x16xf32>
      tpu.vector_store %arg15[%swap3A_607, %swap3A_608, %swap3A_609], %swap3A_612 {strides = array<i32>} : memref<2x80x160xf32, #tpu.memory_space<vmem>>, vector<1x1x16xf32>,
    }
    %scan3A_333 = arith.constant 80 : i32
    %add3A_334 = arith.constant 25440 : i32
    %add3A_335 = arith.addi %mul3A_2, %add3A_334 : i32
    %dma_start3A_336 = arith.constant 0 : i32
    %dma_start3A_337 = arith.constant 0 : i32
    %dma_start3A_338 = arith.constant 0 : i32
    %dma_start3A_339 = arith.constant 0 : i32
    %dma_start3A_340 = tpu.memref_slice %arg15[%dma_start3A_336, %dma_start3A_338, %dma_start3A_339] : memref<2x80x160xf32, #tpu.memory_space<vmem>> -> memref<1x80x160xf32, #tpu.memory_space<vmem>>
    %dma_start3A_341 = tpu.memref_squeeze %dma_start3A_340 : memref<1x80x160xf32, #tpu.memory_space<vmem>> -> memref<80x160xf32, #tpu.memory_space<vmem>>
    %dma_start3A_342 = arith.constant 0 : i32
    %dma_start3A_343 = tpu.memref_slice %arg8[%add3A_335, %dma_start3A_342] : memref<819200x160xf32, #tpu.memory_space<hbm>> -> memref<80x160xf32, #tpu.memory_space<hbm>>
    %dma_start3A_344 = tpu.memref_slice %arg18[%dma_start3A_337] : memref<2x!tpu.dma_semaphore, #tpu.memory_space<semaphore_mem>> -> memref<1x!tpu.dma_semaphore, #tpu.memory_space<semaphore_mem>>
    %dma_start3A_345 = tpu.memref_squeeze %dma_start3A_344 : memref<1x!tpu.dma_semaphore, #tpu.memory_space<semaphore_mem>> -> memref<!tpu.dma_semaphore, #tpu.memory_space<semaphore_mem>>
    %dma_start3A_346 = arith.constant 0 : i32
    %dma_start3A_347 = tpu.memref_slice %arg8[%add3A_335, %dma_start3A_346] : memref<819200x160xf32, #tpu.memory_space<hbm>> -> memref<80x160xf32, #tpu.memory_space<hbm>>
    %dma_start3A_348 = arith.constant 0 : i32
    %dma_start3A_349 = arith.constant 0 : i32
    %dma_start3A_350 = tpu.memref_slice %arg15[%dma_start3A_336, %dma_start3A_348, %dma_start3A_349] : memref<2x80x160xf32, #tpu.memory_space<vmem>> -> memref<1x80x160xf32, #tpu.memory_space<vmem>>
    %dma_start3A_351 = tpu.memref_squeeze %dma_start3A_350 : memref<1x80x160xf32, #tpu.memory_space<vmem>> -> memref<80x160xf32, #tpu.memory_space<vmem>>
    tpu.enqueue_dma source(%dma_start3A_351 : memref<80x160xf32, #tpu.memory_space<vmem>>) target(%dma_start3A_347 : memref<80x160xf32, #tpu.memory_space<hbm>>) target_semaphore(%dma_start3A_345 : memref<!tpu.dma_semaphore, #tpu.memory_space<semaphore_mem>>)
    %dma_wait3A_352 = arith.constant 1 : i32
    %dma_wait3A_353 = arith.constant 1 : i32
    %dma_wait3A_354 = arith.constant 0 : i32
    %dma_wait3A_355 = arith.constant 0 : i32
    %dma_wait3A_356 = tpu.memref_slice %arg12[%dma_wait3A_352, %dma_wait3A_354, %dma_wait3A_355] : memref<2x80x128xf32, #tpu.memory_space<vmem>> -> memref<1x80x128xf32, #tpu.memory_space<vmem>>
    %dma_wait3A_357 = tpu.memref_squeeze %dma_wait3A_356 : memref<1x80x128xf32, #tpu.memory_space<vmem>> -> memref<80x128xf32, #tpu.memory_space<vmem>>
    %dma_wait3A_358 = arith.constant 0 : i32
    %dma_wait3A_359 = arith.constant 0 : i32
    %dma_wait3A_360 = tpu.memref_slice %arg5[%dma_wait3A_358, %dma_wait3A_359] : memref<100000x128xf32, #tpu.memory_space<hbm>> -> memref<80x128xf32, #tpu.memory_space<hbm>>
    %dma_wait3A_361 = tpu.memref_slice %arg17[%dma_wait3A_353] : memref<2x!tpu.dma_semaphore, #tpu.memory_space<semaphore_mem>> -> memref<1x!tpu.dma_semaphore, #tpu.memory_space<semaphore_mem>>
    %dma_wait3A_362 = tpu.memref_squeeze %dma_wait3A_361 : memref<1x!tpu.dma_semaphore, #tpu.memory_space<semaphore_mem>> -> memref<!tpu.dma_semaphore, #tpu.memory_space<semaphore_mem>>
    %dma_wait3A_363 = arith.constant 0 : i32
    %dma_wait3A_364 = arith.constant 0 : i32
    %dma_wait3A_365 = tpu.memref_slice %arg12[%dma_wait3A_352, %dma_wait3A_363, %dma_wait3A_364] : memref<2x80x128xf32, #tpu.memory_space<vmem>> -> memref<1x80x128xf32, #tpu.memory_space<vmem>>
    %dma_wait3A_366 = tpu.memref_squeeze %dma_wait3A_365 : memref<1x80x128xf32, #tpu.memory_space<vmem>> -> memref<80x128xf32, #tpu.memory_space<vmem>>
    %dma_wait3A_367 = arith.constant 0 : i32
    %dma_wait3A_368 = arith.constant 0 : i32
    %dma_wait3A_369 = tpu.memref_slice %arg5[%dma_wait3A_367, %dma_wait3A_368] : memref<100000x128xf32, #tpu.memory_space<hbm>> -> memref<80x128xf32, #tpu.memory_space<hbm>>
    tpu.wait_dma2 semaphore(%dma_wait3A_362 : memref<!tpu.dma_semaphore, #tpu.memory_space<semaphore_mem>>) src(%dma_wait3A_369 : memref<80x128xf32, #tpu.memory_space<hbm>>) dst(%dma_wait3A_366 : memref<80x128xf32, #tpu.memory_space<vmem>>)
    %dma_wait3A_370 = arith.constant 1 : i32
    %dma_wait3A_371 = arith.constant 1 : i32
    %dma_wait3A_372 = arith.constant 0 : i32
    %dma_wait3A_373 = arith.constant 0 : i32
    %dma_wait3A_374 = tpu.memref_slice %arg13[%dma_wait3A_370, %dma_wait3A_372, %dma_wait3A_373] : memref<2x80x128xf32, #tpu.memory_space<vmem>> -> memref<1x80x128xf32, #tpu.memory_space<vmem>>
    %dma_wait3A_375 = tpu.memref_squeeze %dma_wait3A_374 : memref<1x80x128xf32, #tpu.memory_space<vmem>> -> memref<80x128xf32, #tpu.memory_space<vmem>>
    %dma_wait3A_376 = arith.constant 0 : i32
    %dma_wait3A_377 = arith.constant 0 : i32
    %dma_wait3A_378 = tpu.memref_slice %arg7[%dma_wait3A_376, %dma_wait3A_377] : memref<1000x128xf32, #tpu.memory_space<hbm>> -> memref<80x128xf32, #tpu.memory_space<hbm>>
    %dma_wait3A_379 = tpu.memref_slice %arg17[%dma_wait3A_371] : memref<2x!tpu.dma_semaphore, #tpu.memory_space<semaphore_mem>> -> memref<1x!tpu.dma_semaphore, #tpu.memory_space<semaphore_mem>>
    %dma_wait3A_380 = tpu.memref_squeeze %dma_wait3A_379 : memref<1x!tpu.dma_semaphore, #tpu.memory_space<semaphore_mem>> -> memref<!tpu.dma_semaphore, #tpu.memory_space<semaphore_mem>>
    %dma_wait3A_381 = arith.constant 0 : i32
    %dma_wait3A_382 = arith.constant 0 : i32
    %dma_wait3A_383 = tpu.memref_slice %arg13[%dma_wait3A_370, %dma_wait3A_381, %dma_wait3A_382] : memref<2x80x128xf32, #tpu.memory_space<vmem>> -> memref<1x80x128xf32, #tpu.memory_space<vmem>>
    %dma_wait3A_384 = tpu.memref_squeeze %dma_wait3A_383 : memref<1x80x128xf32, #tpu.memory_space<vmem>> -> memref<80x128xf32, #tpu.memory_space<vmem>>
    %dma_wait3A_385 = arith.constant 0 : i32
    %dma_wait3A_386 = arith.constant 0 : i32
    %dma_wait3A_387 = tpu.memref_slice %arg7[%dma_wait3A_385, %dma_wait3A_386] : memref<1000x128xf32, #tpu.memory_space<hbm>> -> memref<80x128xf32, #tpu.memory_space<hbm>>
    tpu.wait_dma2 semaphore(%dma_wait3A_380 : memref<!tpu.dma_semaphore, #tpu.memory_space<semaphore_mem>>) src(%dma_wait3A_387 : memref<80x128xf32, #tpu.memory_space<hbm>>) dst(%dma_wait3A_384 : memref<80x128xf32, #tpu.memory_space<vmem>>)
    %dma_wait3A_388 = arith.constant 1 : i32
    %dma_wait3A_389 = arith.constant 1 : i32
    %dma_wait3A_390 = arith.constant 0 : i32
    %dma_wait3A_391 = arith.constant 0 : i32
    %dma_wait3A_392 = tpu.memref_slice %arg14[%dma_wait3A_388, %dma_wait3A_390, %dma_wait3A_391] : memref<2x80x128xf32, #tpu.memory_space<vmem>> -> memref<1x80x128xf32, #tpu.memory_space<vmem>>
    %dma_wait3A_393 = tpu.memref_squeeze %dma_wait3A_392 : memref<1x80x128xf32, #tpu.memory_space<vmem>> -> memref<80x128xf32, #tpu.memory_space<vmem>>
    %dma_wait3A_394 = arith.constant 0 : i32
    %dma_wait3A_395 = arith.constant 0 : i32
    %dma_wait3A_396 = tpu.memref_slice %arg6[%dma_wait3A_394, %dma_wait3A_395] : memref<1000000x128xf32, #tpu.memory_space<hbm>> -> memref<80x128xf32, #tpu.memory_space<hbm>>
    %dma_wait3A_397 = tpu.memref_slice %arg17[%dma_wait3A_389] : memref<2x!tpu.dma_semaphore, #tpu.memory_space<semaphore_mem>> -> memref<1x!tpu.dma_semaphore, #tpu.memory_space<semaphore_mem>>
    %dma_wait3A_398 = tpu.memref_squeeze %dma_wait3A_397 : memref<1x!tpu.dma_semaphore, #tpu.memory_space<semaphore_mem>> -> memref<!tpu.dma_semaphore, #tpu.memory_space<semaphore_mem>>
    %dma_wait3A_399 = arith.constant 0 : i32
    %dma_wait3A_400 = arith.constant 0 : i32
    %dma_wait3A_401 = tpu.memref_slice %arg14[%dma_wait3A_388, %dma_wait3A_399, %dma_wait3A_400] : memref<2x80x128xf32, #tpu.memory_space<vmem>> -> memref<1x80x128xf32, #tpu.memory_space<vmem>>
    %dma_wait3A_402 = tpu.memref_squeeze %dma_wait3A_401 : memref<1x80x128xf32, #tpu.memory_space<vmem>> -> memref<80x128xf32, #tpu.memory_space<vmem>>
    %dma_wait3A_403 = arith.constant 0 : i32
    %dma_wait3A_404 = arith.constant 0 : i32
    %dma_wait3A_405 = tpu.memref_slice %arg6[%dma_wait3A_403, %dma_wait3A_404] : memref<1000000x128xf32, #tpu.memory_space<hbm>> -> memref<80x128xf32, #tpu.memory_space<hbm>>
    tpu.wait_dma2 semaphore(%dma_wait3A_398 : memref<!tpu.dma_semaphore, #tpu.memory_space<semaphore_mem>>) src(%dma_wait3A_405 : memref<80x128xf32, #tpu.memory_space<hbm>>) dst(%dma_wait3A_402 : memref<80x128xf32, #tpu.memory_space<vmem>>)
    %dma_wait3A_406 = arith.constant 1 : i32
    %dma_wait3A_407 = arith.constant 1 : i32
    %dma_wait3A_408 = arith.constant 0 : i32
    %dma_wait3A_409 = arith.constant 0 : i32
    %dma_wait3A_410 = tpu.memref_slice %arg15[%dma_wait3A_406, %dma_wait3A_408, %dma_wait3A_409] : memref<2x80x160xf32, #tpu.memory_space<vmem>> -> memref<1x80x160xf32, #tpu.memory_space<vmem>>
    %dma_wait3A_411 = tpu.memref_squeeze %dma_wait3A_410 : memref<1x80x160xf32, #tpu.memory_space<vmem>> -> memref<80x160xf32, #tpu.memory_space<vmem>>
    %dma_wait3A_412 = arith.constant 0 : i32
    %dma_wait3A_413 = arith.constant 0 : i32
    %dma_wait3A_414 = tpu.memref_slice %arg8[%dma_wait3A_412, %dma_wait3A_413] : memref<819200x160xf32, #tpu.memory_space<hbm>> -> memref<80x160xf32, #tpu.memory_space<hbm>>
    %dma_wait3A_415 = tpu.memref_slice %arg18[%dma_wait3A_407] : memref<2x!tpu.dma_semaphore, #tpu.memory_space<semaphore_mem>> -> memref<1x!tpu.dma_semaphore, #tpu.memory_space<semaphore_mem>>
    %dma_wait3A_416 = tpu.memref_squeeze %dma_wait3A_415 : memref<1x!tpu.dma_semaphore, #tpu.memory_space<semaphore_mem>> -> memref<!tpu.dma_semaphore, #tpu.memory_space<semaphore_mem>>
    %dma_wait3A_417 = arith.constant 0 : i32
    %dma_wait3A_418 = arith.constant 0 : i32
    %dma_wait3A_419 = tpu.memref_slice %arg15[%dma_wait3A_406, %dma_wait3A_417, %dma_wait3A_418] : memref<2x80x160xf32, #tpu.memory_space<vmem>> -> memref<1x80x160xf32, #tpu.memory_space<vmem>>
    %dma_wait3A_420 = tpu.memref_squeeze %dma_wait3A_419 : memref<1x80x160xf32, #tpu.memory_space<vmem>> -> memref<80x160xf32, #tpu.memory_space<vmem>>
    %dma_wait3A_421 = arith.constant 0 : i32
    %dma_wait3A_422 = arith.constant 0 : i32
    %dma_wait3A_423 = tpu.memref_slice %arg8[%dma_wait3A_421, %dma_wait3A_422] : memref<819200x160xf32, #tpu.memory_space<hbm>> -> memref<80x160xf32, #tpu.memory_space<hbm>>
    tpu.wait_dma2 semaphore(%dma_wait3A_416 : memref<!tpu.dma_semaphore, #tpu.memory_space<semaphore_mem>>) src(%dma_wait3A_423 : memref<80x160xf32, #tpu.memory_space<hbm>>) dst(%dma_wait3A_420 : memref<80x160xf32, #tpu.memory_space<vmem>>)
    %scan3A_424 = arith.constant 0 : i32
    %scan3A_425 = arith.constant 0 : i32
    %scan3A_426 = arith.constant 80 : i32
    %scan3A_427 = arith.addi %scan3A_425, %scan3A_426 : i32
    %scan3A_428 = arith.constant 1 : i32
    scf.for %scan3A_484 = %scan3A_425 to %scan3A_427 step %scan3A_428  : i32 {
      %get3A = arith.constant 1 : i32
      %get3A_485 = arith.index_cast %get3A : i32 to index
      %get3A_486 = arith.index_cast %scan3A_484 : i32 to index
      %get3A_487 = arith.constant 0 : index
      %get3A_488 = tpu.vector_load %arg12[%get3A_485, %get3A_486, %get3A_487] {strides = array<i32>} : memref<2x80x128xf32, #tpu.memory_space<vmem>>, vector<1x1x16xf32>,
      %get3A_489 = vector.shape_cast %get3A_488 : vector<1x1x16xf32> to vector<16xf32>
      %swap3A = arith.constant 1 : i32
      %swap3A_490 = arith.index_cast %swap3A : i32 to index
      %swap3A_491 = arith.index_cast %scan3A_484 : i32 to index
      %swap3A_492 = arith.constant 0 : index
      %swap3A_493 = tpu.vector_load %arg15[%swap3A_490, %swap3A_491, %swap3A_492] {strides = array<i32>} : memref<2x80x160xf32, #tpu.memory_space<vmem>>, vector<1x1x16xf32>,
      %swap3A_494 = vector.shape_cast %swap3A_493 : vector<1x1x16xf32> to vector<16xf32>
      %swap3A_495 = vector.shape_cast %get3A_489 : vector<16xf32> to vector<1x1x16xf32>
      tpu.vector_store %arg15[%swap3A_490, %swap3A_491, %swap3A_492], %swap3A_495 {strides = array<i32>} : memref<2x80x160xf32, #tpu.memory_space<vmem>>, vector<1x1x16xf32>,
      %get3A_496 = arith.constant 1 : i32
      %get3A_497 = arith.index_cast %get3A_496 : i32 to index
      %get3A_498 = arith.index_cast %scan3A_484 : i32 to index
      %get3A_499 = arith.constant 16 : index
      %get3A_500 = tpu.vector_load %arg12[%get3A_497, %get3A_498, %get3A_499] {strides = array<i32>} : memref<2x80x128xf32, #tpu.memory_space<vmem>>, vector<1x1x16xf32>,
      %get3A_501 = vector.shape_cast %get3A_500 : vector<1x1x16xf32> to vector<16xf32>
      %swap3A_502 = arith.constant 1 : i32
      %swap3A_503 = arith.index_cast %swap3A_502 : i32 to index
      %swap3A_504 = arith.index_cast %scan3A_484 : i32 to index
      %swap3A_505 = arith.constant 16 : index
      %swap3A_506 = tpu.vector_load %arg15[%swap3A_503, %swap3A_504, %swap3A_505] {strides = array<i32>} : memref<2x80x160xf32, #tpu.memory_space<vmem>>, vector<1x1x16xf32>,
      %swap3A_507 = vector.shape_cast %swap3A_506 : vector<1x1x16xf32> to vector<16xf32>
      %swap3A_508 = vector.shape_cast %get3A_501 : vector<16xf32> to vector<1x1x16xf32>
      tpu.vector_store %arg15[%swap3A_503, %swap3A_504, %swap3A_505], %swap3A_508 {strides = array<i32>} : memref<2x80x160xf32, #tpu.memory_space<vmem>>, vector<1x1x16xf32>,
      %get3A_509 = arith.constant 1 : i32
      %get3A_510 = arith.index_cast %get3A_509 : i32 to index
      %get3A_511 = arith.index_cast %scan3A_484 : i32 to index
      %get3A_512 = arith.constant 32 : index
      %get3A_513 = tpu.vector_load %arg12[%get3A_510, %get3A_511, %get3A_512] {strides = array<i32>} : memref<2x80x128xf32, #tpu.memory_space<vmem>>, vector<1x1x16xf32>,
      %get3A_514 = vector.shape_cast %get3A_513 : vector<1x1x16xf32> to vector<16xf32>
      %swap3A_515 = arith.constant 1 : i32
      %swap3A_516 = arith.index_cast %swap3A_515 : i32 to index
      %swap3A_517 = arith.index_cast %scan3A_484 : i32 to index
      %swap3A_518 = arith.constant 32 : index
      %swap3A_519 = tpu.vector_load %arg15[%swap3A_516, %swap3A_517, %swap3A_518] {strides = array<i32>} : memref<2x80x160xf32, #tpu.memory_space<vmem>>, vector<1x1x16xf32>,
      %swap3A_520 = vector.shape_cast %swap3A_519 : vector<1x1x16xf32> to vector<16xf32>
      %swap3A_521 = vector.shape_cast %get3A_514 : vector<16xf32> to vector<1x1x16xf32>
      tpu.vector_store %arg15[%swap3A_516, %swap3A_517, %swap3A_518], %swap3A_521 {strides = array<i32>} : memref<2x80x160xf32, #tpu.memory_space<vmem>>, vector<1x1x16xf32>,
      %get3A_522 = arith.constant 1 : i32
      %get3A_523 = arith.index_cast %get3A_522 : i32 to index
      %get3A_524 = arith.index_cast %scan3A_484 : i32 to index
      %get3A_525 = arith.constant 48 : index
      %get3A_526 = tpu.vector_load %arg12[%get3A_523, %get3A_524, %get3A_525] {strides = array<i32>} : memref<2x80x128xf32, #tpu.memory_space<vmem>>, vector<1x1x16xf32>,
      %get3A_527 = vector.shape_cast %get3A_526 : vector<1x1x16xf32> to vector<16xf32>
      %swap3A_528 = arith.constant 1 : i32
      %swap3A_529 = arith.index_cast %swap3A_528 : i32 to index
      %swap3A_530 = arith.index_cast %scan3A_484 : i32 to index
      %swap3A_531 = arith.constant 48 : index
      %swap3A_532 = tpu.vector_load %arg15[%swap3A_529, %swap3A_530, %swap3A_531] {strides = array<i32>} : memref<2x80x160xf32, #tpu.memory_space<vmem>>, vector<1x1x16xf32>,
      %swap3A_533 = vector.shape_cast %swap3A_532 : vector<1x1x16xf32> to vector<16xf32>
      %swap3A_534 = vector.shape_cast %get3A_527 : vector<16xf32> to vector<1x1x16xf32>
      tpu.vector_store %arg15[%swap3A_529, %swap3A_530, %swap3A_531], %swap3A_534 {strides = array<i32>} : memref<2x80x160xf32, #tpu.memory_space<vmem>>, vector<1x1x16xf32>,
      %get3A_535 = arith.constant 1 : i32
      %get3A_536 = arith.index_cast %get3A_535 : i32 to index
      %get3A_537 = arith.index_cast %scan3A_484 : i32 to index
      %get3A_538 = arith.constant 0 : index
      %get3A_539 = tpu.vector_load %arg13[%get3A_536, %get3A_537, %get3A_538] {strides = array<i32>} : memref<2x80x128xf32, #tpu.memory_space<vmem>>, vector<1x1x16xf32>,
      %get3A_540 = vector.shape_cast %get3A_539 : vector<1x1x16xf32> to vector<16xf32>
      %swap3A_541 = arith.constant 1 : i32
      %swap3A_542 = arith.index_cast %swap3A_541 : i32 to index
      %swap3A_543 = arith.index_cast %scan3A_484 : i32 to index
      %swap3A_544 = arith.constant 64 : index
      %swap3A_545 = tpu.vector_load %arg15[%swap3A_542, %swap3A_543, %swap3A_544] {strides = array<i32>} : memref<2x80x160xf32, #tpu.memory_space<vmem>>, vector<1x1x16xf32>,
      %swap3A_546 = vector.shape_cast %swap3A_545 : vector<1x1x16xf32> to vector<16xf32>
      %swap3A_547 = vector.shape_cast %get3A_540 : vector<16xf32> to vector<1x1x16xf32>
      tpu.vector_store %arg15[%swap3A_542, %swap3A_543, %swap3A_544], %swap3A_547 {strides = array<i32>} : memref<2x80x160xf32, #tpu.memory_space<vmem>>, vector<1x1x16xf32>,
      %get3A_548 = arith.constant 1 : i32
      %get3A_549 = arith.index_cast %get3A_548 : i32 to index
      %get3A_550 = arith.index_cast %scan3A_484 : i32 to index
      %get3A_551 = arith.constant 16 : index
      %get3A_552 = tpu.vector_load %arg13[%get3A_549, %get3A_550, %get3A_551] {strides = array<i32>} : memref<2x80x128xf32, #tpu.memory_space<vmem>>, vector<1x1x16xf32>,
      %get3A_553 = vector.shape_cast %get3A_552 : vector<1x1x16xf32> to vector<16xf32>
      %swap3A_554 = arith.constant 1 : i32
      %swap3A_555 = arith.index_cast %swap3A_554 : i32 to index
      %swap3A_556 = arith.index_cast %scan3A_484 : i32 to index
      %swap3A_557 = arith.constant 80 : index
      %swap3A_558 = tpu.vector_load %arg15[%swap3A_555, %swap3A_556, %swap3A_557] {strides = array<i32>} : memref<2x80x160xf32, #tpu.memory_space<vmem>>, vector<1x1x16xf32>,
      %swap3A_559 = vector.shape_cast %swap3A_558 : vector<1x1x16xf32> to vector<16xf32>
      %swap3A_560 = vector.shape_cast %get3A_553 : vector<16xf32> to vector<1x1x16xf32>
      tpu.vector_store %arg15[%swap3A_555, %swap3A_556, %swap3A_557], %swap3A_560 {strides = array<i32>} : memref<2x80x160xf32, #tpu.memory_space<vmem>>, vector<1x1x16xf32>,
      %get3A_561 = arith.constant 1 : i32
      %get3A_562 = arith.index_cast %get3A_561 : i32 to index
      %get3A_563 = arith.index_cast %scan3A_484 : i32 to index
      %get3A_564 = arith.constant 0 : index
      %get3A_565 = tpu.vector_load %arg14[%get3A_562, %get3A_563, %get3A_564] {strides = array<i32>} : memref<2x80x128xf32, #tpu.memory_space<vmem>>, vector<1x1x16xf32>,
      %get3A_566 = vector.shape_cast %get3A_565 : vector<1x1x16xf32> to vector<16xf32>
      %swap3A_567 = arith.constant 1 : i32
      %swap3A_568 = arith.index_cast %swap3A_567 : i32 to index
      %swap3A_569 = arith.index_cast %scan3A_484 : i32 to index
      %swap3A_570 = arith.constant 96 : index
      %swap3A_571 = tpu.vector_load %arg15[%swap3A_568, %swap3A_569, %swap3A_570] {strides = array<i32>} : memref<2x80x160xf32, #tpu.memory_space<vmem>>, vector<1x1x16xf32>,
      %swap3A_572 = vector.shape_cast %swap3A_571 : vector<1x1x16xf32> to vector<16xf32>
      %swap3A_573 = vector.shape_cast %get3A_566 : vector<16xf32> to vector<1x1x16xf32>
      tpu.vector_store %arg15[%swap3A_568, %swap3A_569, %swap3A_570], %swap3A_573 {strides = array<i32>} : memref<2x80x160xf32, #tpu.memory_space<vmem>>, vector<1x1x16xf32>,
      %get3A_574 = arith.constant 1 : i32
      %get3A_575 = arith.index_cast %get3A_574 : i32 to index
      %get3A_576 = arith.index_cast %scan3A_484 : i32 to index
      %get3A_577 = arith.constant 16 : index
      %get3A_578 = tpu.vector_load %arg14[%get3A_575, %get3A_576, %get3A_577] {strides = array<i32>} : memref<2x80x128xf32, #tpu.memory_space<vmem>>, vector<1x1x16xf32>,
      %get3A_579 = vector.shape_cast %get3A_578 : vector<1x1x16xf32> to vector<16xf32>
      %swap3A_580 = arith.constant 1 : i32
      %swap3A_581 = arith.index_cast %swap3A_580 : i32 to index
      %swap3A_582 = arith.index_cast %scan3A_484 : i32 to index
      %swap3A_583 = arith.constant 112 : index
      %swap3A_584 = tpu.vector_load %arg15[%swap3A_581, %swap3A_582, %swap3A_583] {strides = array<i32>} : memref<2x80x160xf32, #tpu.memory_space<vmem>>, vector<1x1x16xf32>,
      %swap3A_585 = vector.shape_cast %swap3A_584 : vector<1x1x16xf32> to vector<16xf32>
      %swap3A_586 = vector.shape_cast %get3A_579 : vector<16xf32> to vector<1x1x16xf32>
      tpu.vector_store %arg15[%swap3A_581, %swap3A_582, %swap3A_583], %swap3A_586 {strides = array<i32>} : memref<2x80x160xf32, #tpu.memory_space<vmem>>, vector<1x1x16xf32>,
      %get3A_587 = arith.constant 1 : i32
      %get3A_588 = arith.index_cast %get3A_587 : i32 to index
      %get3A_589 = arith.index_cast %scan3A_484 : i32 to index
      %get3A_590 = arith.constant 32 : index
      %get3A_591 = tpu.vector_load %arg14[%get3A_588, %get3A_589, %get3A_590] {strides = array<i32>} : memref<2x80x128xf32, #tpu.memory_space<vmem>>, vector<1x1x16xf32>,
      %get3A_592 = vector.shape_cast %get3A_591 : vector<1x1x16xf32> to vector<16xf32>
      %swap3A_593 = arith.constant 1 : i32
      %swap3A_594 = arith.index_cast %swap3A_593 : i32 to index
      %swap3A_595 = arith.index_cast %scan3A_484 : i32 to index
      %swap3A_596 = arith.constant 128 : index
      %swap3A_597 = tpu.vector_load %arg15[%swap3A_594, %swap3A_595, %swap3A_596] {strides = array<i32>} : memref<2x80x160xf32, #tpu.memory_space<vmem>>, vector<1x1x16xf32>,
      %swap3A_598 = vector.shape_cast %swap3A_597 : vector<1x1x16xf32> to vector<16xf32>
      %swap3A_599 = vector.shape_cast %get3A_592 : vector<16xf32> to vector<1x1x16xf32>
      tpu.vector_store %arg15[%swap3A_594, %swap3A_595, %swap3A_596], %swap3A_599 {strides = array<i32>} : memref<2x80x160xf32, #tpu.memory_space<vmem>>, vector<1x1x16xf32>,
      %get3A_600 = arith.constant 1 : i32
      %get3A_601 = arith.index_cast %get3A_600 : i32 to index
      %get3A_602 = arith.index_cast %scan3A_484 : i32 to index
      %get3A_603 = arith.constant 48 : index
      %get3A_604 = tpu.vector_load %arg14[%get3A_601, %get3A_602, %get3A_603] {strides = array<i32>} : memref<2x80x128xf32, #tpu.memory_space<vmem>>, vector<1x1x16xf32>,
      %get3A_605 = vector.shape_cast %get3A_604 : vector<1x1x16xf32> to vector<16xf32>
      %swap3A_606 = arith.constant 1 : i32
      %swap3A_607 = arith.index_cast %swap3A_606 : i32 to index
      %swap3A_608 = arith.index_cast %scan3A_484 : i32 to index
      %swap3A_609 = arith.constant 144 : index
      %swap3A_610 = tpu.vector_load %arg15[%swap3A_607, %swap3A_608, %swap3A_609] {strides = array<i32>} : memref<2x80x160xf32, #tpu.memory_space<vmem>>, vector<1x1x16xf32>,
      %swap3A_611 = vector.shape_cast %swap3A_610 : vector<1x1x16xf32> to vector<16xf32>
      %swap3A_612 = vector.shape_cast %get3A_605 : vector<16xf32> to vector<1x1x16xf32>
      tpu.vector_store %arg15[%swap3A_607, %swap3A_608, %swap3A_609], %swap3A_612 {strides = array<i32>} : memref<2x80x160xf32, #tpu.memory_space<vmem>>, vector<1x1x16xf32>,
    }
    %scan3A_429 = arith.constant 80 : i32
    %add3A_430 = arith.constant 25520 : i32
    %add3A_431 = arith.addi %mul3A_2, %add3A_430 : i32
    %dma_start3A_432 = arith.constant 1 : i32
    %dma_start3A_433 = arith.constant 1 : i32
    %dma_start3A_434 = arith.constant 0 : i32
    %dma_start3A_435 = arith.constant 0 : i32
    %dma_start3A_436 = tpu.memref_slice %arg15[%dma_start3A_432, %dma_start3A_434, %dma_start3A_435] : memref<2x80x160xf32, #tpu.memory_space<vmem>> -> memref<1x80x160xf32, #tpu.memory_space<vmem>>
    %dma_start3A_437 = tpu.memref_squeeze %dma_start3A_436 : memref<1x80x160xf32, #tpu.memory_space<vmem>> -> memref<80x160xf32, #tpu.memory_space<vmem>>
    %dma_start3A_438 = arith.constant 0 : i32
    %dma_start3A_439 = tpu.memref_slice %arg8[%add3A_431, %dma_start3A_438] : memref<819200x160xf32, #tpu.memory_space<hbm>> -> memref<80x160xf32, #tpu.memory_space<hbm>>
    %dma_start3A_440 = tpu.memref_slice %arg18[%dma_start3A_433] : memref<2x!tpu.dma_semaphore, #tpu.memory_space<semaphore_mem>> -> memref<1x!tpu.dma_semaphore, #tpu.memory_space<semaphore_mem>>
    %dma_start3A_441 = tpu.memref_squeeze %dma_start3A_440 : memref<1x!tpu.dma_semaphore, #tpu.memory_space<semaphore_mem>> -> memref<!tpu.dma_semaphore, #tpu.memory_space<semaphore_mem>>
    %dma_start3A_442 = arith.constant 0 : i32
    %dma_start3A_443 = tpu.memref_slice %arg8[%add3A_431, %dma_start3A_442] : memref<819200x160xf32, #tpu.memory_space<hbm>> -> memref<80x160xf32, #tpu.memory_space<hbm>>
    %dma_start3A_444 = arith.constant 0 : i32
    %dma_start3A_445 = arith.constant 0 : i32
    %dma_start3A_446 = tpu.memref_slice %arg15[%dma_start3A_432, %dma_start3A_444, %dma_start3A_445] : memref<2x80x160xf32, #tpu.memory_space<vmem>> -> memref<1x80x160xf32, #tpu.memory_space<vmem>>
    %dma_start3A_447 = tpu.memref_squeeze %dma_start3A_446 : memref<1x80x160xf32, #tpu.memory_space<vmem>> -> memref<80x160xf32, #tpu.memory_space<vmem>>
    tpu.enqueue_dma source(%dma_start3A_447 : memref<80x160xf32, #tpu.memory_space<vmem>>) target(%dma_start3A_443 : memref<80x160xf32, #tpu.memory_space<hbm>>) target_semaphore(%dma_start3A_441 : memref<!tpu.dma_semaphore, #tpu.memory_space<semaphore_mem>>)
    %dma_wait3A_448 = arith.constant 0 : i32
    %dma_wait3A_449 = arith.constant 0 : i32
    %dma_wait3A_450 = arith.constant 0 : i32
    %dma_wait3A_451 = arith.constant 0 : i32
    %dma_wait3A_452 = tpu.memref_slice %arg15[%dma_wait3A_448, %dma_wait3A_450, %dma_wait3A_451] : memref<2x80x160xf32, #tpu.memory_space<vmem>> -> memref<1x80x160xf32, #tpu.memory_space<vmem>>
    %dma_wait3A_453 = tpu.memref_squeeze %dma_wait3A_452 : memref<1x80x160xf32, #tpu.memory_space<vmem>> -> memref<80x160xf32, #tpu.memory_space<vmem>>
    %dma_wait3A_454 = arith.constant 0 : i32
    %dma_wait3A_455 = arith.constant 0 : i32
    %dma_wait3A_456 = tpu.memref_slice %arg8[%dma_wait3A_454, %dma_wait3A_455] : memref<819200x160xf32, #tpu.memory_space<hbm>> -> memref<80x160xf32, #tpu.memory_space<hbm>>
    %dma_wait3A_457 = tpu.memref_slice %arg18[%dma_wait3A_449] : memref<2x!tpu.dma_semaphore, #tpu.memory_space<semaphore_mem>> -> memref<1x!tpu.dma_semaphore, #tpu.memory_space<semaphore_mem>>
    %dma_wait3A_458 = tpu.memref_squeeze %dma_wait3A_457 : memref<1x!tpu.dma_semaphore, #tpu.memory_space<semaphore_mem>> -> memref<!tpu.dma_semaphore, #tpu.memory_space<semaphore_mem>>
    %dma_wait3A_459 = arith.constant 0 : i32
    %dma_wait3A_460 = arith.constant 0 : i32
    %dma_wait3A_461 = tpu.memref_slice %arg15[%dma_wait3A_448, %dma_wait3A_459, %dma_wait3A_460] : memref<2x80x160xf32, #tpu.memory_space<vmem>> -> memref<1x80x160xf32, #tpu.memory_space<vmem>>
    %dma_wait3A_462 = tpu.memref_squeeze %dma_wait3A_461 : memref<1x80x160xf32, #tpu.memory_space<vmem>> -> memref<80x160xf32, #tpu.memory_space<vmem>>
    %dma_wait3A_463 = arith.constant 0 : i32
    %dma_wait3A_464 = arith.constant 0 : i32
    %dma_wait3A_465 = tpu.memref_slice %arg8[%dma_wait3A_463, %dma_wait3A_464] : memref<819200x160xf32, #tpu.memory_space<hbm>> -> memref<80x160xf32, #tpu.memory_space<hbm>>
    tpu.wait_dma2 semaphore(%dma_wait3A_458 : memref<!tpu.dma_semaphore, #tpu.memory_space<semaphore_mem>>) src(%dma_wait3A_465 : memref<80x160xf32, #tpu.memory_space<hbm>>) dst(%dma_wait3A_462 : memref<80x160xf32, #tpu.memory_space<vmem>>)
    %dma_wait3A_466 = arith.constant 1 : i32
    %dma_wait3A_467 = arith.constant 1 : i32
    %dma_wait3A_468 = arith.constant 0 : i32
    %dma_wait3A_469 = arith.constant 0 : i32
    %dma_wait3A_470 = tpu.memref_slice %arg15[%dma_wait3A_466, %dma_wait3A_468, %dma_wait3A_469] : memref<2x80x160xf32, #tpu.memory_space<vmem>> -> memref<1x80x160xf32, #tpu.memory_space<vmem>>
    %dma_wait3A_471 = tpu.memref_squeeze %dma_wait3A_470 : memref<1x80x160xf32, #tpu.memory_space<vmem>> -> memref<80x160xf32, #tpu.memory_space<vmem>>
    %dma_wait3A_472 = arith.constant 0 : i32
    %dma_wait3A_473 = arith.constant 0 : i32
    %dma_wait3A_474 = tpu.memref_slice %arg8[%dma_wait3A_472, %dma_wait3A_473] : memref<819200x160xf32, #tpu.memory_space<hbm>> -> memref<80x160xf32, #tpu.memory_space<hbm>>
    %dma_wait3A_475 = tpu.memref_slice %arg18[%dma_wait3A_467] : memref<2x!tpu.dma_semaphore, #tpu.memory_space<semaphore_mem>> -> memref<1x!tpu.dma_semaphore, #tpu.memory_space<semaphore_mem>>
    %dma_wait3A_476 = tpu.memref_squeeze %dma_wait3A_475 : memref<1x!tpu.dma_semaphore, #tpu.memory_space<semaphore_mem>> -> memref<!tpu.dma_semaphore, #tpu.memory_space<semaphore_mem>>
    %dma_wait3A_477 = arith.constant 0 : i32
    %dma_wait3A_478 = arith.constant 0 : i32
    %dma_wait3A_479 = tpu.memref_slice %arg15[%dma_wait3A_466, %dma_wait3A_477, %dma_wait3A_478] : memref<2x80x160xf32, #tpu.memory_space<vmem>> -> memref<1x80x160xf32, #tpu.memory_space<vmem>>
    %dma_wait3A_480 = tpu.memref_squeeze %dma_wait3A_479 : memref<1x80x160xf32, #tpu.memory_space<vmem>> -> memref<80x160xf32, #tpu.memory_space<vmem>>
    %dma_wait3A_481 = arith.constant 0 : i32
    %dma_wait3A_482 = arith.constant 0 : i32
    %dma_wait3A_483 = tpu.memref_slice %arg8[%dma_wait3A_481, %dma_wait3A_482] : memref<819200x160xf32, #tpu.memory_space<hbm>> -> memref<80x160xf32, #tpu.memory_space<hbm>>
    tpu.wait_dma2 semaphore(%dma_wait3A_476 : memref<!tpu.dma_semaphore, #tpu.memory_space<semaphore_mem>>) src(%dma_wait3A_483 : memref<80x160xf32, #tpu.memory_space<hbm>>) dst(%dma_wait3A_480 : memref<80x160xf32, #tpu.memory_space<vmem>>)
    return
  }
}

module attributes {stable_mosaic.version = 14 : i64} {
  func.func @body(%arg0: i32, %arg1: memref<8000x64xf32, #tpu.memory_space<vmem>>, %arg2: memref<8000x128xf32, #tpu.memory_space<vmem>>) attributes {dimension_semantics = [#tpu.dimension_semantics<arbitrary>], iteration_bounds = array<i64: 125>, scalar_prefetch = 0 : i64, scratch_operands = 0 : i64, tpu.core_type = #tpu.core_type<tc>, window_params = [{transform_indices = @transform_0, window_bounds = array<i64: 8000, 64>}, {transform_indices = @transform_1, window_bounds = array<i64: 8000, 128>}]} {
    %get3A = arith.constant 0 : index
    %get3A_0 = arith.constant 0 : index
    %get3A_1 = vector.load %arg1[%get3A, %get3A_0] : memref<8000x64xf32, #tpu.memory_space<vmem>>, vector<8000x64xf32>
    %swap3A = arith.constant 0 : index
    %swap3A_2 = arith.constant 0 : index
    %swap3A_3 = vector.load %arg2[%swap3A, %swap3A_2] : memref<8000x128xf32, #tpu.memory_space<vmem>>, vector<8000x64xf32>
    tpu.vector_store %arg2[%swap3A, %swap3A_2], %get3A_1 {strides = array<i32>} : memref<8000x128xf32, #tpu.memory_space<vmem>>, vector<8000x64xf32>,
    %swap3A_4 = arith.constant 0 : index
    %swap3A_5 = arith.constant 64 : index
    %swap3A_6 = vector.load %arg2[%swap3A_4, %swap3A_5] : memref<8000x128xf32, #tpu.memory_space<vmem>>, vector<8000x64xf32>
    tpu.vector_store %arg2[%swap3A_4, %swap3A_5], %get3A_1 {strides = array<i32>} : memref<8000x128xf32, #tpu.memory_space<vmem>>, vector<8000x64xf32>,
    return
  }
  func.func @transform_0(%arg0: i32) -> (i32, i32) {
    %c0_i32 = arith.constant 0 : i32
    %c0_i32_0 = arith.constant 0 : i32
    return %arg0, %c0_i32 : i32, i32
  }
  func.func @transform_1(%arg0: i32) -> (i32, i32) {
    %c0_i32 = arith.constant 0 : i32
    %c0_i32_0 = arith.constant 0 : i32
    return %arg0, %c0_i32 : i32, i32
  }
}

</mosaic_0001>

<sc_bundles>
// kernel: kernel.4.cloned.1.call-start
scs
__scs_entry_jumppad:
0x0: {  	(pc) =	sbr.rel $0x88, $3  }
0x1: {  	(tag) =	ssettag $0x0;
	lr =	simm.s32 $0x1  }
0x2: {  	[smem:$0x3F9B] =	sst lr;
	_ =	strace $0xD0000000  }
0x3: {  	_ = 	snop  }
0x4: {  	_ = 	snop  }
0x5: {  	_ = 	snop  }
0x6: {  	_ = 	snop  }
0x7: {  	_ = 	snop  }
__scs_overlays_trampoline_lowered:
0x8: {  	[smem:$0x3FAA] =	sst s0  }
0x9: {  	[smem:$0x3FAB] =	sst s1  }
0xa: {  	[smem:$0x3FAC] =	sst s2  }
0xb: {  	[smem:$0x3FAD] =	sst s3  }
0xc: {  	[smem:$0x3FAE] =	sst s4  }
0xd: {  	[smem:$0x3FAF] =	sst s5  }
0xe: {  	[smem:$0x3FB0] =	sst s6  }
0xf: {  	[smem:$0x3FB1] =	sst s7  }
0x10: {  	[smem:$0x3FB2] =	sst s8  }
0x11: {  	[smem:$0x3FB3] =	sst s9;
	s0 =	simm.s32 @!p0 $0x0  }
0x12: {  	s1 =	sld [smem:$0x3F99];
	s0 =	simm.s32 @p0 $0x1  }
0x13: {  	[smem:$0x3FB4] =	sst s0;
	s0 =	simm.s32 @!p1 $0x0  }
0x14: {  	s2 =	sld [smem:$0x3F98];
	s0 =	simm.s32 @p1 $0x1  }
0x15: {  	[smem:$0x3FB5] =	sst s0;
	s0 =	simm.s32 @!p2 $0x0  }
0x16: {  	s3 =	sld [smem:$0x3FDB];
	s0 =	simm.s32 @p2 $0x1  }
0x17: {  	s4 =	simm.s32 $0x1BF5;
	[smem:$0x3FB7] =	sst s0  }
0x18: {  	s0 =	sld [smem:$0x3F9A];
	_ =	swait.ge [sflag:s4], $0x0  }
0x19: {  	s7 =	sld [smem:$0x3F9B]  }
0x1a: {  	s8 =	sadd.s32 $0xFFFFE003, lr  }
0x1b: {  	s9 =	sadd.s32 $0xFFFFFEF7, lr;
	s5 =	simm.s32 $0xFFFFFFFF;
	p2 =	slt.u32 s8, $0xFFFFF086  }
0x1c: {  	p1 =	slt.u32 s9, $0xF7A;
	s5 =	simm.s32 @!p2 $0x0  }
0x1d: {  	s5 =	simm.s32 @p1 $0x1;
	p0 =	seq.s32 s7, s2  }
0x1e: {  	s7 =	smul.u32 @!p0 $0xF7A, s2;
	p2 =	seq.s32 @!p0 s5, $0x0  }
0x1f: {  	s9 =	smul.u32 $0xF7A, s1;
	s8 =	simm.s32 @!p0 $0x1BF5;
	p2 =	por !p2, p0  }
0x20: {  	[sflag:s8] =	ssyncset.s32 @!p0 $0xFFFFF086;
	s6 =	sadd.s32 @!p0 s3, s7;
	s7 =	simm.s32 @!p0 $0x108  }
0x21: {  	s3 =	sadd.s32 s3, s9;
	s6 =	sadd.s32 @!p0 $0x88, s6;
	s7 =	simm.s32 @p2 $0x1082  }
0x22: {  	[simem:s7], [sflag:s8] =	dma.local @!p0 [hbm:s6], $0xF7A  }
0x23: {  	s9 =	sor.u32 $0xD0000000, s2;
	s6 =	simm.s32 $0x108;
	_ =	swait.ge @!p0 [sflag:s8], $0x0  }
0x24: {  	s3 =	sadd.s32 $0x88, s3;
	s6 =	simm.s32 @!p1 $0x1082;
	[sflag:s4] =	ssyncset.s32 $0xFFFFF086  }
0x25: {  	[simem:s6], [sflag:s4] =	dma.local [hbm:s3], $0xF7A  }
0x26: {  	[smem:$0x3F9B] =	sst s1;
	(tag) =	ssettag s2;
	_ =	strace s9  }
0x27: {  	s1 =	sld [smem:$0x3FAB]  }
0x28: {  	s2 =	sld [smem:$0x3FAC]  }
0x29: {  	s4 =	sld [smem:$0x3FAE]  }
0x2a: {  	p0 =	seq.s32 s5, $0x0;
	s5 =	sld [smem:$0x3FAF]  }
0x2b: {  	s6 =	sld [smem:$0x3FB0]  }
0x2c: {  	s7 =	sld [smem:$0x3FB1]  }
0x2d: {  	s3 =	simm.s32 $0x108;
	s8 =	sld [smem:$0x3FB2]  }
0x2e: {  	s3 =	simm.s32 @!p0 $0x1082;
	s9 =	sld [smem:$0x3FB3]  }
0x2f: {  	lr =	sadd.s32 s0, s3;
	s0 =	sld [smem:$0x3FAA]  }
0x30: {  	s3 =	sld [smem:$0x3FAD]  }
0x31: {  	[smem:$0x3FB6] =	sst s10  }
0x32: {  	s10 =	sld [smem:$0x3FB4];
	_ =	sdelay $0x3  }
0x33: {  	p0 =	seq.s32 s10, $0x1;
	s10 =	sld [smem:$0x3FB6];
	_ =	sdelay $0x3  }
0x34: {  	[smem:$0x3FB6] =	sst s10  }
0x35: {  	s10 =	sld [smem:$0x3FB5];
	_ =	sdelay $0x3  }
0x36: {  	p1 =	seq.s32 s10, $0x1;
	s10 =	sld [smem:$0x3FB6];
	_ =	sdelay $0x3  }
0x37: {  	[smem:$0x3FB6] =	sst s10  }
0x38: {  	s10 =	sld [smem:$0x3FB7]  }
0x39: {  	_ = 	snop;
	(pc) =	sbr.ind lr, $3  }
0x3a: {  	_ = 	snop  }
0x3b: {  	_ = 	snop  }
0x3c: {  	p2 =	seq.s32 s10, $0x1;
	s10 =	sld [smem:$0x3FB6]  }
0x3d: {  	_ =	shalt  }
0x3e: {  	_ =	shalt  }
0x3f: {  	_ =	shalt  }
0x40: {  	_ =	shalt  }
0x41: {  	_ =	shalt  }
0x42: {  	_ =	shalt  }
0x43: {  	_ =	shalt  }
0x44: {  	_ =	shalt  }
0x45: {  	_ =	shalt  }
0x46: {  	_ =	shalt  }
0x47: {  	_ =	shalt  }
0x48: {  	_ =	shalt  }
0x49: {  	_ =	shalt  }
0x4a: {  	_ =	shalt  }
0x4b: {  	_ =	shalt  }
0x4c: {  	_ =	shalt  }
0x4d: {  	_ =	shalt  }
0x4e: {  	_ =	shalt  }
0x4f: {  	_ =	shalt  }
0x50: {  	_ =	shalt  }
0x51: {  	_ =	shalt  }
0x52: {  	_ =	shalt  }
0x53: {  	_ =	shalt  }
0x54: {  	_ =	shalt  }
0x55: {  	_ =	shalt  }
0x56: {  	_ =	shalt  }
0x57: {  	_ =	shalt  }
0x58: {  	_ =	shalt  }
0x59: {  	_ =	shalt  }
0x5a: {  	_ =	shalt  }
0x5b: {  	_ =	shalt  }
0x5c: {  	_ =	shalt  }
0x5d: {  	_ =	shalt  }
0x5e: {  	_ =	shalt  }
0x5f: {  	_ =	shalt  }
0x60: {  	_ =	shalt  }
0x61: {  	_ =	shalt  }
0x62: {  	_ =	shalt  }
0x63: {  	_ =	shalt  }
0x64: {  	_ =	shalt  }
0x65: {  	_ =	shalt  }
0x66: {  	_ =	shalt  }
0x67: {  	_ =	shalt  }
0x68: {  	_ =	shalt  }
0x69: {  	_ =	shalt  }
0x6a: {  	_ =	shalt  }
0x6b: {  	_ =	shalt  }
0x6c: {  	_ =	shalt  }
0x6d: {  	_ =	shalt  }
0x6e: {  	_ =	shalt  }
0x6f: {  	_ =	shalt  }
0x70: {  	_ =	shalt  }
0x71: {  	_ =	shalt  }
0x72: {  	_ =	shalt  }
0x73: {  	_ =	shalt  }
0x74: {  	_ =	shalt  }
0x75: {  	_ =	shalt  }
0x76: {  	_ =	shalt  }
0x77: {  	_ =	shalt  }
0x78: {  	_ =	shalt  }
0x79: {  	_ =	shalt  }
0x7a: {  	_ =	shalt  }
0x7b: {  	_ =	shalt  }
0x7c: {  	_ =	shalt  }
0x7d: {  	_ =	shalt  }
0x7e: {  	_ =	shalt  }
0x7f: {  	_ =	shalt  }
0x80: {  	_ =	shalt  }
0x81: {  	_ =	shalt  }
0x82: {  	_ =	shalt  }
0x83: {  	_ =	shalt  }
0x84: {  	_ =	shalt  }
0x85: {  	_ =	shalt  }
0x86: {  	_ =	shalt  }
0x87: {  	_ =	shalt  }
.Lfunc_end0:
.L_simem_size_0:
called_computation.1_lowered:
.L_overlay_start_0:
0x88: {  	s2 =	sld [smem:$0x3FD9]  }
0x89: {  	s3 =	sld [smem:$0x3FFE];
	_ =	sdelay $0x1  }
0x8a: {  	s1 =	srdreg.scid  }
0x8b: {  	s0 =	sand.u32 $0x1, s1  }
0x8c: {  	s16 =	sshll.u32 s0, $0xA;
	s2 =	sadd.s32 s3, s2  }
0x8d: {  	s2 =	sadd.s32 s2, s16  }
0x8e: {  	[smem:$0x3FC2] =	sst s2  }
0x8f: {  	_ = 	snop  }
0x90: {  	(tm) =	ssettm $0x1  }
0x91: {  	s17 =	sld [smem:$0x3FFB];
	_ =	sdelay $0x3  }
0x92: {  	_ =	strace s17  }
0x93: {  	s2 =	sld [smem:$0x3FFC];
	_ =	sdelay $0x3  }
0x94: {  	_ =	strace s2  }
0x95: {  	s2 =	sld [smem:$0x3FFD];
	_ =	sdelay $0x3  }
0x96: {  	_ =	strace s2  }
0x97: {  	_ =	strace $0x8FFFFFFF  }
0x98: {  	s18 =	sld [smem:$0x3FDB];
	_ =	sdelay $0x1  }
0x99: {  	s19 =	simm.s32 $_scs_section_size  }
0x9a: {  	s4 =	simm.s32 $_size__tile_overlayer_lowered;
	s5 =	simm.s32 $_tile_overlayer_lowered  }
0x9b: {  	s22 =	simm.s32 $0x1BFF;
	s21 =	sshll.u32 s5, $0x1;
	s2 =	sadd.s32 s19, s18  }
0x9c: {  	s6 =	simm.s32 $0x0;
	s20 =	sshll.u32 s4, $0x1;
	s4 =	sadd.s32 s21, s2  }
0x9d: {  	[timem:s6], [sflag:s22] =	dma.local [hbm:s4], s20  }
0x9e: {  	_ =	swait.ge [sflag:s22], s20  }
0x9f: {  	s3 =	ssub.s32 $0x0, s20;
	[sflag:s22] =	ssyncset.done $0x0  }
0xa0: {  	[sflag:s22] =	ssyncadd.s32 s3;
	_ =	sdelay $0x1  }
0xa1: {  	s23 =	simm.s32 $0x1B8B  }
0xa2: {  	_ =	swait.ge [sflag:s23], $0x1  }
0xa3: {  	[sflag:s23] =	ssyncset.done $0x0  }
0xa4: {  	s25 =	simm.s32 $0x1B8E;
	s24 =	sld [smem:$0x3FFE];
	[sflag:s23] =	ssyncadd.s32 $0xFFFFFFFF  }
0xa5: {  	s26 =	simm.s32 $execute0_lowered;
	[smem:$0x3FD2] =	sst s25  }
0xa6: {  	s4 =	sshll.u32 s26, $0x1;
	_ =	strace $0x80000046;
	[dreg:$0x1] =	wrdreg $0xFFFFFFFF  }
0xa7: {  	s28 =	simm.s32 $_size_execute0_lowered;
	s2 =	sadd.s32 s2, s4;
	[dreg:$0x0] =	wrdreg $0x0  }
0xa8: {  	s4 =	sshll.u32 s28, $0x1;
	[dreg:$0x2] =	wrdreg s2  }
0xa9: {  	[dreg:$0x3] =	wrdreg s4  }
0xaa: {  	[dreg:$0x4] =	wrdreg $0xC0  }
0xab: {  	_ =	task [dreg:s6], $0x5FFFF  }
0xac: {  	[dreg:$0x1] =	wrdreg $0xFFFFFFFF  }
0xad: {  	[dreg:$0x0] =	wrdreg $0x60  }
0xae: {  	[dreg:$0x2] =	wrdreg s24  }
0xaf: {  	[dreg:$0x3] =	wrdreg $0x9  }
0xb0: {  	_ =	task.clear_ibuf [dreg:s6], $0x4FFFF;
	_ =	strace $0x90000046  }
0xb1: {  	s29 =	simm.s32 $0x9;
	_ =	strace $0x80000048  }
0xb2: {  	_ =	swait.ge [sflag:s29], $0x1  }
0xb3: {  	[sflag:s29] =	ssyncadd.s32 $0xFFFFFFFF  }
0xb4: {  	_ =	strace $0x90000048  }
0xb5: {  	_ =	sfence  }
0xb6: {  	s30 =	sld [smem:$0x0];
	_ =	sdelay $0x2  }
0xb7: {  	s31 =	sshll.u32 s1, $0xD;
	s1 =	sshrl.u32 s1, $0x2  }
0xb8: {  	s3 =	sand.u32 $0x4000, s31;
	s1 =	sadd.s32 s1, s30  }
0xb9: {  	s0 =	sor.u32 s3, s0;
	s1 =	sshll.u32 s1, $0x11  }
0xba: {  	s0 =	sor.u32 s1, s0  }
0xbb: {  	s0 =	sadd.s32 $0x8F2B, s0  }
0xbc: {  	[sflag:s0] =	ssyncadd.remote.s32 $0x1  }
0xbd: {  	_ =	sfence.sel $0xFFFF  }
0xbe: {  	[dreg:$0x0] =	wrdreg $0xFFFFFFFF;
	(pc) =	sbr.abs _section_cstart, $3  }
0xbf: {  	[dreg:$0x1] =	wrdreg $0xFFFFFFFF  }
0xc0: {  	_ =	task.clear_ibuf [dreg:s6], $0x2FFFF;
	_ =	strace $0x9FFFFFFF  }
0xc1: {  	(tm) =	ssettm $0x7FFFFFFF  }
tec
execute0_lowered:
.L_overlay_start_1:
0x0: {  	(tag) =	ssettag $0x1  }
0x1: {  	s0 =	rddreg [dreg:$0x0];
	s2 =	simm.s32 $0x0  }
0x2: {  	s1 =	srdreg.scid;
	s3 =	stileid.u32;
	s28 =	simm.s32 $0x50  }
0x3: {  	s29 =	simm.s32 $0x5;
	s31 =	simm.s32 $0x4;
	s30 =	simm.s32 $0x6  }
0x4: {  	[smem:$0x7FF] =	sst s2;
	s1 =	sand.u32 $0x1, s1;
	s5 =	sshll.u32 s3, $0x1  }
0x5: {  	s3 =	sadd.s32 $0x4A00, s0;
	s4 =	sadd.s32 $0x1DA00, s0;
	s6 =	sadd.s32 $0x4FA00, s0  }
0x6: {  	s8 =	sadd.s32 $0x1D6400, s0;
	s9 =	sadd.s32 $0xA00, s0;
	s11 =	sor.u32 s1, s5  }
0x7: {  	s10 =	sadd.s32 $0x1118800, s0;
	s1 =	ssub.s32 $0x2, s1;
	s7 =	smul.u32 $0x6400, s11  }
0x8: {  	_ =	strace $0x80000047;
	s19 =	sshrl.u32 s1, $0x1;
	s21 =	smul.u32 $0x640000, s11  }
0x9: {  	s5 =	sadd.s32 $0x36A00, s0;
	s0 =	ssub.s32 s1, s19;
	s12 =	sshrl.u32 s7, $0x3  }
0xa: {  	s1 =	sshrl.u32 s21, $0x3;
	s17 =	sor.u32 $0xA0, s7;
	s20 =	sadd.s32 s3, s12  }
0xb: {  	s22 =	sadd.s32 s5, s12;
	s23 =	sadd.s32 s4, s12;
	[dreg:$0x2] =	wrdreg s20  }
0xc: {  	s24 =	sor.u32 $0xA, s12;
	s1 =	sadd.s32 s10, s1;
	[dreg:$0x3] =	wrdreg s22  }
0xd: {  	[dreg:$0x4] =	wrdreg s23;
	s12 =	sadd.s32 s3, s24;
	s25 =	sadd.s32 s5, s24  }
0xe: {  	s11 =	sadd.s32 s4, s24;
	s26 =	sadd.s32 $0xC6C00, s1;
	[dreg:$0x5] =	wrdreg s12  }
0xf: {  	s19 =	sadd.s32 $0xC7600, s1;
	s20 =	smax.u32 s0, $0x1;
	[dreg:$0x6] =	wrdreg s25  }
0x10: {  	s23 =	simm.s32 $0x80;
	s24 =	simm.s32 $0x180;
	[dreg:$0x7] =	wrdreg s11  }
0x11: {  	s0 =	simm.s32 $0x3;
	s1 =	simm.s32 $0x2;
	[dreg:$0x8] =	wrdreg s26  }
0x12: {  	s25 =	simm.s32 $0x280;
	s26 =	simm.s32 $0x1;
	s11 =	simm.s32 $0x0  }
.LBB2_1:
0x13: {  	s12 =	rddreg [dreg:$0x2]  }
0x14: {  	[tilespmem:s2], [sflag:$0x1] =	stream.linear.gather [hbm4b:s12+s2], $0x50, $0x38;
	[tilespmem:$0x19300] =	vst v63  }
0x15: {  	s15 =	rddreg [dreg:$0x3];
	s13 =	simm.s32 $0x100  }
0x16: {  	[tilespmem:s13], [sflag:$0x1] =	stream.linear.gather [hbm4b:s15+s2], $0x50, $0x38;
	[tilespmem:$0x19300] =	vst v63  }
0x17: {  	s16 =	rddreg [dreg:$0x4];
	s14 =	simm.s32 $0x200  }
0x18: {  	[tilespmem:s14], [sflag:$0x1] =	stream.linear.gather [hbm4b:s16+s2], $0x50, $0x38;
	[tilespmem:$0x19300] =	vst v63  }
0x19: {  	s18 =	rddreg [dreg:$0x5]  }
0x1a: {  	[tilespmem:s23], [sflag:$0x2] =	stream.linear.gather [hbm4b:s18+s2], $0x50, $0x38;
	[tilespmem:$0x19300] =	vst v63  }
0x1b: {  	s21 =	rddreg [dreg:$0x6]  }
0x1c: {  	[tilespmem:s24], [sflag:$0x2] =	stream.linear.gather [hbm4b:s21+s2], $0x50, $0x38;
	[tilespmem:$0x19300] =	vst v63  }
0x1d: {  	s22 =	rddreg [dreg:$0x7]  }
0x1e: {  	[tilespmem:s25], [sflag:$0x2] =	stream.linear.gather [hbm4b:s22+s2], $0x50, $0x38;
	[tilespmem:$0x19300] =	vst v63  }
0x1f: {  	_ =	swait.ge [sflag:s26], $0x50  }
0x20: {  	[sflag:s26] =	ssyncset.done $0x0  }
0x21: {  	[sflag:s26] =	ssyncadd.s32 $0xFFFFFFB0  }
0x22: {  	_ =	swait.ge [sflag:s26], $0x50  }
0x23: {  	[sflag:s26] =	ssyncset.done $0x0  }
0x24: {  	[sflag:s26] =	ssyncadd.s32 $0xFFFFFFB0  }
0x25: {  	_ =	swait.ge [sflag:s26], $0x50  }
0x26: {  	[sflag:s26] =	ssyncset.done $0x0  }
0x27: {  	s23 =	simm.s32 $0x300;
	[sflag:s26] =	ssyncadd.s32 $0xFFFFFFB0  }
0x28: {  	[tilespmem:s23], [sflag:$0x3] =	stream.indirect.gather [hbm4b:s6+s28], $0x80, s2, s28, $0xb8;
	[tilespmem:$0x19300] =	vst v63  }
0x29: {  	s24 =	simm.s32 $0x5300  }
0x2a: {  	[tilespmem:s24], [sflag:$0x3] =	stream.indirect.gather [hbm4b:s9+s28], $0x80, s13, s28, $0xb8;
	[tilespmem:$0x19300] =	vst v63  }
0x2b: {  	p0 =	por $0x0, $0x0;
	s12 =	simm.s32 $0x0;
	s25 =	simm.s32 $0xA300  }
0x2c: {  	[tilespmem:s25], [sflag:$0x3] =	stream.indirect.gather [hbm4b:s8+s28], $0x80, s14, s28, $0xb8;
	[tilespmem:$0x19300] =	vst v63  }
.LBB2_2:
0x2d: {  	s13 =	sand.u32 $0x1, s12  }
0x2e: {  	s14 =	sadd.s32 $0x3, s13  }
0x2f: {  	_ =	swait.ge [sflag:s14], $0x2800  }
0x30: {  	[sflag:s14] =	ssyncset.done $0x0  }
0x31: {  	[sflag:s14] =	ssyncadd.s32 $0xFFFFD800  }
0x32: {  	_ =	swait.ge [sflag:s14], $0x2800  }
0x33: {  	[sflag:s14] =	ssyncset.done $0x0  }
0x34: {  	[sflag:s14] =	ssyncadd.s32 $0xFFFFD800  }
0x35: {  	_ =	swait.ge [sflag:s14], $0x2800  }
0x36: {  	s15 =	sxor.u32 $0x1, s13;
	[sflag:s14] =	ssyncset.done $0x0  }
0x37: {  	s23 =	sadd.s32 $0x1, s15;
	[sflag:s14] =	ssyncadd.s32 $0xFFFFD800  }
0x38: {  	_ =	swait.ge [sflag:s23], $0x50  }
0x39: {  	[sflag:s23] =	ssyncset.done $0x0  }
0x3a: {  	[sflag:s23] =	ssyncadd.s32 $0xFFFFFFB0  }
0x3b: {  	_ =	swait.ge [sflag:s23], $0x50  }
0x3c: {  	[sflag:s23] =	ssyncset.done $0x0  }
0x3d: {  	[sflag:s23] =	ssyncadd.s32 $0xFFFFFFB0  }
0x3e: {  	s16 =	smul.u32 $0x2800, s15;
	_ =	swait.ge [sflag:s23], $0x50  }
0x3f: {  	p1 =	slt.u32 s12, $0x2;
	s21 =	sshll.u32 s15, $0x7;
	[sflag:s23] =	ssyncset.done $0x0  }
0x40: {  	s15 =	sadd.s32 $0x3, s15;
	s24 =	sor.u32 $0x300, s16;
	[sflag:s23] =	ssyncadd.s32 $0xFFFFFFB0  }
0x41: {  	[tilespmem:s24], [sflag:s15] =	stream.indirect.gather [hbm4b:s6+s28], $0x80, s21, s28, $0xb8;
	[tilespmem:$0x19300] =	vst v63  }
0x42: {  	s22 =	sor.u32 $0x100, s21;
	s25 =	sadd.s32 $0x5300, s16;
	s14 =	simm.s32 $0x1  }
0x43: {  	[tilespmem:s25], [sflag:s15] =	stream.indirect.gather [hbm4b:s9+s28], $0x80, s22, s28, $0xb8;
	[tilespmem:$0x19300] =	vst v63  }
0x44: {  	s16 =	sadd.s32 $0xA300, s16;
	s14 =	simm.s32 @!p0 $0x0;
	s21 =	sor.u32 $0x200, s21  }
0x45: {  	[tilespmem:s16], [sflag:s15] =	stream.indirect.gather [hbm4b:s8+s28], $0x80, s21, s28, $0xb8;
	[tilespmem:$0x19300] =	vst v63  }
0x46: {  	s14 =	smul.u32 $0xA000, s14;
	s15 =	sadd.s32 @!p1 $0x5, s13  }
0x47: {  	_ =	swait.ge @!p1 [sflag:s15], $0x5000  }
0x48: {  	s18 =	sshrl.u32 s14, $0x2;
	[sflag:s15] =	ssyncset.done @!p1 $0x0  }
0x49: {  	s23 =	sor.u32 $0x320, s18;
	s21 =	smul.u32 $0x14000, s13;
	[sflag:s15] =	ssyncadd.s32 @!p1 $0xFFFFB000  }
0x4a: {  	v0 =	vld [tilespmem:s23+$0xFFFFFFE0]  }
0x4b: {  	s14 =	simm.s32 $0x0;
	s22 =	sshrl.u32 s21, $0x2  }
0x4c: {  	s24 =	sand.u32 $0x7800, s14;
	s21 =	sadd.s32 $0xF300, s22  }
0x4d: {  	s25 =	sand.u32 $0x380, s14;
	s15 =	sadd.s32 s24, s21  }
0x4e: {  	s24 =	sadd.s32 s25, s15  }
0x4f: {  	[tilespmem:s24+$0x0] =	vst v0  }
0x50: {  	v0 =	vld [tilespmem:s23+$0xFFFFFFF0];
	_ =	sdelay $0x4  }
0x51: {  	[tilespmem:s24+$0x10] =	vst v0  }
0x52: {  	v0 =	vld [tilespmem:s23+$0x0];
	_ =	sdelay $0x4  }
0x53: {  	[tilespmem:s24+$0x20] =	vst v0  }
0x54: {  	v0 =	vld [tilespmem:s23+$0x10];
	_ =	sdelay $0x4  }
0x55: {  	s22 =	sadd.s32 $0x5310, s18;
	[tilespmem:s24+$0x30] =	vst v0  }
0x56: {  	v0 =	vld [tilespmem:s22+$0xFFFFFFF0];
	_ =	sdelay $0x4  }
0x57: {  	[tilespmem:s24+$0x40] =	vst v0  }
0x58: {  	v0 =	vld [tilespmem:s22+$0x0];
	_ =	sdelay $0x4  }
0x59: {  	s15 =	sadd.s32 $0xA320, s18;
	[tilespmem:s24+$0x50] =	vst v0  }
0x5a: {  	v0 =	vld [tilespmem:s15+$0xFFFFFFE0];
	_ =	sdelay $0x4  }
0x5b: {  	[tilespmem:s24+$0x60] =	vst v0  }
0x5c: {  	v0 =	vld [tilespmem:s15+$0xFFFFFFF0];
	_ =	sdelay $0x4  }
0x5d: {  	[tilespmem:s24+$0x70] =	vst v0  }
0x5e: {  	v0 =	vld [tilespmem:s15+$0x0];
	_ =	sdelay $0x4  }
0x5f: {  	[tilespmem:s24+$0x400] =	vst v0  }
0x60: {  	v0 =	vld [tilespmem:s15+$0x10];
	_ =	sdelay $0x4  }
0x61: {  	s23 =	sadd.s32 $0x80, s23;
	[tilespmem:s24+$0x410] =	vst v0  }
0x62: {  	s16 =	simm.s32 $0x100;
	s24 =	simm.s32 $0x80;
	v0 =	vld [tilespmem:s23+$0xFFFFFFE0]  }
.LBB2_3:
0x63: {  	p1 =	sne.s32 s16, $0x2780;
	s14 =	sadd.s32 $0x100, s14  }
0x64: {  	s25 =	sand.u32 $0x7800, s14  }
0x65: {  	s18 =	sand.u32 $0x380, s24;
	s24 =	smov.u32 s16;
	s25 =	sadd.s32 s25, s21  }
0x66: {  	s25 =	sadd.s32 s18, s25  }
0x67: {  	[tilespmem:s25+$0x0] =	vst v0  }
0x68: {  	v0 =	vld [tilespmem:s23+$0xFFFFFFF0];
	_ =	sdelay $0x4  }
0x69: {  	[tilespmem:s25+$0x10] =	vst v0  }
0x6a: {  	v0 =	vld [tilespmem:s23+$0x0];
	_ =	sdelay $0x4  }
0x6b: {  	[tilespmem:s25+$0x20] =	vst v0  }
0x6c: {  	v0 =	vld [tilespmem:s23+$0x10];
	_ =	sdelay $0x4  }
0x6d: {  	s22 =	sadd.s32 $0x80, s22;
	[tilespmem:s25+$0x30] =	vst v0  }
0x6e: {  	v0 =	vld [tilespmem:s22+$0xFFFFFFF0];
	_ =	sdelay $0x4  }
0x6f: {  	[tilespmem:s25+$0x40] =	vst v0  }
0x70: {  	v0 =	vld [tilespmem:s22+$0x0];
	_ =	sdelay $0x4  }
0x71: {  	s15 =	sadd.s32 $0x80, s15;
	[tilespmem:s25+$0x50] =	vst v0  }
0x72: {  	v0 =	vld [tilespmem:s15+$0xFFFFFFE0];
	_ =	sdelay $0x4  }
0x73: {  	[tilespmem:s25+$0x60] =	vst v0  }
0x74: {  	v0 =	vld [tilespmem:s15+$0xFFFFFFF0];
	_ =	sdelay $0x4  }
0x75: {  	[tilespmem:s25+$0x70] =	vst v0  }
0x76: {  	v0 =	vld [tilespmem:s15+$0x0];
	_ =	sdelay $0x4  }
0x77: {  	[tilespmem:s25+$0x400] =	vst v0  }
0x78: {  	v0 =	vld [tilespmem:s15+$0x10];
	_ =	sdelay $0x1  }
.Ltmp0:
0x79: {  	(pc) =	sbr.rel @p1 .LBB2_3-.Ltmp0, $3  }
0x7a: {  	_ =	sdelay $0x1  }
0x7b: {  	s23 =	sadd.s32 $0x80, s23;
	[tilespmem:s25+$0x410] =	vst v0  }
0x7c: {  	s16 =	sadd.s32 $0x80, s16;
	v0 =	vld [tilespmem:s23+$0xFFFFFFE0]  }
0x7d: {  	s14 =	sadd.s32 $0x100, s14  }
0x7e: {  	s14 =	sand.u32 $0x7800, s14  }
0x7f: {  	s16 =	sand.u32 $0x380, s24;
	s14 =	sadd.s32 s14, s21  }
0x80: {  	s14 =	sadd.s32 s16, s14  }
0x81: {  	[tilespmem:s14+$0x0] =	vst v0  }
0x82: {  	v0 =	vld [tilespmem:s23+$0xFFFFFFF0];
	_ =	sdelay $0x4  }
0x83: {  	[tilespmem:s14+$0x10] =	vst v0  }
0x84: {  	v0 =	vld [tilespmem:s23+$0x0];
	_ =	sdelay $0x4  }
0x85: {  	[tilespmem:s14+$0x20] =	vst v0  }
0x86: {  	v0 =	vld [tilespmem:s23+$0x10];
	_ =	sdelay $0x4  }
0x87: {  	s18 =	sadd.s32 $0x80, s22;
	[tilespmem:s14+$0x30] =	vst v0  }
0x88: {  	v0 =	vld [tilespmem:s18+$0xFFFFFFF0];
	_ =	sdelay $0x4  }
0x89: {  	[tilespmem:s14+$0x40] =	vst v0  }
0x8a: {  	v0 =	vld [tilespmem:s18+$0x0];
	_ =	sdelay $0x4  }
0x8b: {  	s15 =	sadd.s32 $0x80, s15;
	[tilespmem:s14+$0x50] =	vst v0  }
0x8c: {  	v0 =	vld [tilespmem:s15+$0xFFFFFFE0];
	_ =	sdelay $0x4  }
0x8d: {  	[tilespmem:s14+$0x60] =	vst v0  }
0x8e: {  	v0 =	vld [tilespmem:s15+$0xFFFFFFF0];
	_ =	sdelay $0x4  }
0x8f: {  	[tilespmem:s14+$0x70] =	vst v0  }
0x90: {  	v0 =	vld [tilespmem:s15+$0x0];
	_ =	sdelay $0x4  }
0x91: {  	[tilespmem:s14+$0x400] =	vst v0  }
0x92: {  	v0 =	vld [tilespmem:s15+$0x10]  }
0x93: {  	s15 =	smul.u32 $0x50, s12;
	_ =	sdelay $0x1  }
0x94: {  	s18 =	sshll.u32 s13, $0x7;
	s22 =	sadd.s32 s15, s17  }
0x95: {  	s24 =	sor.u32 $0x100, s18;
	s16 =	sshrl.u32 s22, $0x3  }
0x96: {  	s12 =	sadd.s32 $0x1, s12;
	s23 =	sadd.s32 s3, s16;
	[tilespmem:s14+$0x410] =	vst v0;
	s14 =	sadd.s32 $0x1, s13  }
0x97: {  	[tilespmem:s18], [sflag:s14] =	stream.linear.gather [hbm4b:s23+s2], $0x50, $0x38;
	[tilespmem:$0x19300] =	vst v63  }
0x98: {  	p1 =	sne.s32 s12, $0x13E;
	s25 =	sadd.s32 s5, s16;
	s16 =	sadd.s32 s4, s16  }
0x99: {  	[tilespmem:s24], [sflag:s14] =	stream.linear.gather [hbm4b:s25+s2], $0x50, $0x38;
	[tilespmem:$0x19300] =	vst v63  }
.Ltmp1:
0x9a: {  	s18 =	sor.u32 $0x200, s18;
	s24 =	sadd.s32 s7, s15;
	(pc) =	sbr.rel @p1 .LBB2_2-.Ltmp1, $4  }
0x9b: {  	[tilespmem:s18], [sflag:s14] =	stream.linear.gather [hbm4b:s16+s2], $0x50, $0x38;
	[tilespmem:$0x19300] =	vst v63  }
0x9c: {  	s14 =	sshll.u32 s24, $0x5  }
0x9d: {  	p0 =	por !p0, !p0;
	s25 =	sadd.s32 $0x5, s13;
	s14 =	sadd.s32 s10, s14  }
0x9e: {  	[hbm4b:s14+s2] =	stream.linear.scatter [tilespmem:s21], [sflag:s25], $0x5000, $0x38;
	[tilespmem:$0x19300] =	vst v63  }
0x9f: {  	_ =	swait.ge [sflag:s0], $0x2800  }
0xa0: {  	[sflag:s0] =	ssyncset.done $0x0  }
0xa1: {  	[sflag:s0] =	ssyncadd.s32 $0xFFFFD800  }
0xa2: {  	_ =	swait.ge [sflag:s0], $0x2800  }
0xa3: {  	[sflag:s0] =	ssyncset.done $0x0  }
0xa4: {  	[sflag:s0] =	ssyncadd.s32 $0xFFFFD800  }
0xa5: {  	_ =	swait.ge [sflag:s0], $0x2800  }
0xa6: {  	[sflag:s0] =	ssyncset.done $0x0  }
0xa7: {  	[sflag:s0] =	ssyncadd.s32 $0xFFFFD800  }
0xa8: {  	_ =	swait.ge [sflag:s1], $0x50  }
0xa9: {  	[sflag:s1] =	ssyncset.done $0x0  }
0xaa: {  	[sflag:s1] =	ssyncadd.s32 $0xFFFFFFB0  }
0xab: {  	_ =	swait.ge [sflag:s1], $0x50  }
0xac: {  	[sflag:s1] =	ssyncset.done $0x0  }
0xad: {  	[sflag:s1] =	ssyncadd.s32 $0xFFFFFFB0  }
0xae: {  	_ =	swait.ge [sflag:s1], $0x50  }
0xaf: {  	[sflag:s1] =	ssyncset.done $0x0  }
0xb0: {  	s23 =	simm.s32 $0x80;
	s12 =	simm.s32 $0x2B00;
	[sflag:s1] =	ssyncadd.s32 $0xFFFFFFB0  }
0xb1: {  	[tilespmem:s12], [sflag:$0x4] =	stream.indirect.gather [hbm4b:s6+s28], $0x80, s23, s28, $0xb8;
	[tilespmem:$0x19300] =	vst v63  }
0xb2: {  	s24 =	simm.s32 $0x180;
	s18 =	simm.s32 $0x7B00  }
0xb3: {  	[tilespmem:s18], [sflag:$0x4] =	stream.indirect.gather [hbm4b:s9+s28], $0x80, s24, s28, $0xb8;
	[tilespmem:$0x19300] =	vst v63  }
0xb4: {  	s25 =	simm.s32 $0x280;
	s21 =	simm.s32 $0xCB00  }
0xb5: {  	[tilespmem:s21], [sflag:$0x4] =	stream.indirect.gather [hbm4b:s8+s28], $0x80, s25, s28, $0xb8;
	[tilespmem:$0x19300] =	vst v63  }
0xb6: {  	_ =	swait.ge [sflag:s29], $0x5000  }
0xb7: {  	[sflag:s29] =	ssyncset.done $0x0  }
0xb8: {  	s22 =	simm.s32 $0x320;
	[sflag:s29] =	ssyncadd.s32 $0xFFFFB000  }
0xb9: {  	v0 =	vld [tilespmem:s22+$0xFFFFFFE0];
	_ =	sdelay $0x1  }
0xba: {  	s14 =	simm.s32 $0x0  }
0xbb: {  	s13 =	sand.u32 $0x7800, s14;
	s15 =	sand.u32 $0x380, s14  }
0xbc: {  	s15 =	sor.u32 s15, s13  }
0xbd: {  	[tilespmem:s15+$0xF300] =	vst v0  }
0xbe: {  	v0 =	vld [tilespmem:s22+$0xFFFFFFF0];
	_ =	sdelay $0x4  }
0xbf: {  	[tilespmem:s15+$0xF310] =	vst v0  }
0xc0: {  	v0 =	vld [tilespmem:s22+$0x0];
	_ =	sdelay $0x4  }
0xc1: {  	[tilespmem:s15+$0xF320] =	vst v0  }
0xc2: {  	v0 =	vld [tilespmem:s22+$0x10];
	_ =	sdelay $0x4  }
0xc3: {  	s12 =	simm.s32 $0x5310;
	[tilespmem:s15+$0xF330] =	vst v0  }
0xc4: {  	v0 =	vld [tilespmem:s12+$0xFFFFFFF0];
	_ =	sdelay $0x4  }
0xc5: {  	[tilespmem:s15+$0xF340] =	vst v0  }
0xc6: {  	v0 =	vld [tilespmem:s12+$0x0];
	_ =	sdelay $0x4  }
0xc7: {  	s13 =	simm.s32 $0xA320;
	[tilespmem:s15+$0xF350] =	vst v0  }
0xc8: {  	v0 =	vld [tilespmem:s13+$0xFFFFFFE0];
	_ =	sdelay $0x4  }
0xc9: {  	[tilespmem:s15+$0xF360] =	vst v0  }
0xca: {  	v0 =	vld [tilespmem:s13+$0xFFFFFFF0];
	_ =	sdelay $0x4  }
0xcb: {  	[tilespmem:s15+$0xF370] =	vst v0  }
0xcc: {  	v0 =	vld [tilespmem:s13+$0x0];
	_ =	sdelay $0x4  }
0xcd: {  	[tilespmem:s15+$0xF700] =	vst v0  }
0xce: {  	v0 =	vld [tilespmem:s13+$0x10];
	_ =	sdelay $0x4  }
0xcf: {  	[tilespmem:s15+$0xF710] =	vst v0;
	s15 =	simm.s32 $0x3A0  }
0xd0: {  	s16 =	simm.s32 $0x100;
	s21 =	simm.s32 $0x80;
	v0 =	vld [tilespmem:s15+$0xFFFFFFE0]  }
.LBB2_6:
0xd1: {  	p0 =	sne.s32 s16, $0x2780  }
0xd2: {  	s14 =	sadd.s32 $0x100, s14  }
0xd3: {  	s22 =	sand.u32 $0x380, s21;
	s21 =	smov.u32 s16;
	s18 =	sand.u32 $0x7800, s14  }
0xd4: {  	s22 =	sor.u32 s22, s18  }
0xd5: {  	[tilespmem:s22+$0xF300] =	vst v0  }
0xd6: {  	v0 =	vld [tilespmem:s15+$0xFFFFFFF0];
	_ =	sdelay $0x4  }
0xd7: {  	[tilespmem:s22+$0xF310] =	vst v0  }
0xd8: {  	v0 =	vld [tilespmem:s15+$0x0];
	_ =	sdelay $0x4  }
0xd9: {  	[tilespmem:s22+$0xF320] =	vst v0  }
0xda: {  	v0 =	vld [tilespmem:s15+$0x10];
	_ =	sdelay $0x4  }
0xdb: {  	s12 =	sadd.s32 $0x80, s12;
	[tilespmem:s22+$0xF330] =	vst v0  }
0xdc: {  	v0 =	vld [tilespmem:s12+$0xFFFFFFF0];
	_ =	sdelay $0x4  }
0xdd: {  	[tilespmem:s22+$0xF340] =	vst v0  }
0xde: {  	v0 =	vld [tilespmem:s12+$0x0];
	_ =	sdelay $0x4  }
0xdf: {  	s13 =	sadd.s32 $0x80, s13;
	[tilespmem:s22+$0xF350] =	vst v0  }
0xe0: {  	v0 =	vld [tilespmem:s13+$0xFFFFFFE0];
	_ =	sdelay $0x4  }
0xe1: {  	[tilespmem:s22+$0xF360] =	vst v0  }
0xe2: {  	v0 =	vld [tilespmem:s13+$0xFFFFFFF0];
	_ =	sdelay $0x4  }
0xe3: {  	[tilespmem:s22+$0xF370] =	vst v0  }
0xe4: {  	v0 =	vld [tilespmem:s13+$0x0];
	_ =	sdelay $0x4  }
0xe5: {  	[tilespmem:s22+$0xF700] =	vst v0  }
0xe6: {  	v0 =	vld [tilespmem:s13+$0x10];
	_ =	sdelay $0x1  }
.Ltmp2:
0xe7: {  	(pc) =	sbr.rel @p0 .LBB2_6-.Ltmp2, $3  }
0xe8: {  	_ =	sdelay $0x1  }
0xe9: {  	s15 =	sadd.s32 $0x80, s15;
	[tilespmem:s22+$0xF710] =	vst v0  }
0xea: {  	s16 =	sadd.s32 $0x80, s16;
	v0 =	vld [tilespmem:s15+$0xFFFFFFE0]  }
0xeb: {  	_ = 	snop  }
0xec: {  	s14 =	sadd.s32 $0x100, s14  }
0xed: {  	s16 =	sand.u32 $0x380, s21;
	s14 =	sand.u32 $0x7800, s14  }
0xee: {  	s14 =	sor.u32 s16, s14  }
0xef: {  	[tilespmem:s14+$0xF300] =	vst v0  }
0xf0: {  	v0 =	vld [tilespmem:s15+$0xFFFFFFF0];
	_ =	sdelay $0x4  }
0xf1: {  	[tilespmem:s14+$0xF310] =	vst v0  }
0xf2: {  	v0 =	vld [tilespmem:s15+$0x0];
	_ =	sdelay $0x4  }
0xf3: {  	[tilespmem:s14+$0xF320] =	vst v0  }
0xf4: {  	v0 =	vld [tilespmem:s15+$0x10];
	_ =	sdelay $0x4  }
0xf5: {  	s12 =	sadd.s32 $0x80, s12;
	[tilespmem:s14+$0xF330] =	vst v0  }
0xf6: {  	v0 =	vld [tilespmem:s12+$0xFFFFFFF0];
	_ =	sdelay $0x4  }
0xf7: {  	[tilespmem:s14+$0xF340] =	vst v0  }
0xf8: {  	v0 =	vld [tilespmem:s12+$0x0];
	_ =	sdelay $0x4  }
0xf9: {  	s13 =	sadd.s32 $0x80, s13;
	[tilespmem:s14+$0xF350] =	vst v0  }
0xfa: {  	v0 =	vld [tilespmem:s13+$0xFFFFFFE0];
	_ =	sdelay $0x4  }
0xfb: {  	[tilespmem:s14+$0xF360] =	vst v0  }
0xfc: {  	v0 =	vld [tilespmem:s13+$0xFFFFFFF0];
	_ =	sdelay $0x4  }
0xfd: {  	[tilespmem:s14+$0xF370] =	vst v0  }
0xfe: {  	v0 =	vld [tilespmem:s13+$0x0];
	_ =	sdelay $0x4  }
0xff: {  	[tilespmem:s14+$0xF700] =	vst v0  }
0x100: {  	v0 =	vld [tilespmem:s13+$0x10];
	_ =	sdelay $0x4  }
0x101: {  	s15 =	simm.s32 $0xF300;
	s12 =	simm.s32 $0x0;
	[tilespmem:s14+$0xF710] =	vst v0;
	s14 =	rddreg [dreg:$0x8]  }
0x102: {  	[hbm4b:s14+s12] =	stream.linear.scatter [tilespmem:s15], [sflag:$0x5], $0x5000, $0x38;
	[tilespmem:$0x19300] =	vst v63  }
0x103: {  	_ =	swait.ge [sflag:s31], $0x2800  }
0x104: {  	[sflag:s31] =	ssyncset.done $0x0  }
0x105: {  	[sflag:s31] =	ssyncadd.s32 $0xFFFFD800  }
0x106: {  	_ =	swait.ge [sflag:s31], $0x2800  }
0x107: {  	[sflag:s31] =	ssyncset.done $0x0  }
0x108: {  	[sflag:s31] =	ssyncadd.s32 $0xFFFFD800  }
0x109: {  	_ =	swait.ge [sflag:s31], $0x2800  }
0x10a: {  	[sflag:s31] =	ssyncset.done $0x0  }
0x10b: {  	[sflag:s31] =	ssyncadd.s32 $0xFFFFD800  }
0x10c: {  	_ =	swait.ge [sflag:s30], $0x5000  }
0x10d: {  	[sflag:s30] =	ssyncset.done $0x0  }
0x10e: {  	s13 =	simm.s32 $0x2B30;
	[sflag:s30] =	ssyncadd.s32 $0xFFFFB000  }
0x10f: {  	v0 =	vld [tilespmem:s13+$0xFFFFFFD0];
	_ =	sdelay $0x2  }
0x110: {  	s16 =	sand.u32 $0x7800, s12;
	s18 =	sand.u32 $0x380, s12  }
0x111: {  	s21 =	sor.u32 s18, s16  }
0x112: {  	[tilespmem:s21+$0x14300] =	vst v0  }
0x113: {  	v0 =	vld [tilespmem:s13+$0xFFFFFFE0];
	_ =	sdelay $0x3  }
0x114: {  	s15 =	sadd.s32 $0x14300, s21  }
0x115: {  	[tilespmem:s15+$0x10] =	vst v0  }
0x116: {  	v0 =	vld [tilespmem:s13+$0xFFFFFFF0];
	_ =	sdelay $0x4  }
0x117: {  	[tilespmem:s15+$0x20] =	vst v0  }
0x118: {  	v0 =	vld [tilespmem:s13+$0x0];
	_ =	sdelay $0x4  }
0x119: {  	s22 =	simm.s32 $0x7B10;
	[tilespmem:s15+$0x30] =	vst v0  }
0x11a: {  	v0 =	vld [tilespmem:s22+$0xFFFFFFF0];
	_ =	sdelay $0x4  }
0x11b: {  	[tilespmem:s15+$0x40] =	vst v0  }
0x11c: {  	v0 =	vld [tilespmem:s22+$0x0];
	_ =	sdelay $0x4  }
0x11d: {  	s14 =	simm.s32 $0xCB30;
	[tilespmem:s15+$0x50] =	vst v0  }
0x11e: {  	v0 =	vld [tilespmem:s14+$0xFFFFFFD0];
	_ =	sdelay $0x4  }
0x11f: {  	[tilespmem:s15+$0x60] =	vst v0  }
0x120: {  	v0 =	vld [tilespmem:s14+$0xFFFFFFE0];
	_ =	sdelay $0x4  }
0x121: {  	[tilespmem:s15+$0x70] =	vst v0  }
0x122: {  	v0 =	vld [tilespmem:s14+$0xFFFFFFF0];
	_ =	sdelay $0x4  }
0x123: {  	[tilespmem:s21+$0x14700] =	vst v0  }
0x124: {  	v0 =	vld [tilespmem:s14+$0x0];
	_ =	sdelay $0x3  }
0x125: {  	s16 =	sadd.s32 $0x14700, s21;
	s15 =	simm.s32 $0x80;
	s21 =	simm.s32 $0x7B90  }
.LBB2_8:
0x126: {  	[tilespmem:s16+$0x10] =	vst v0;
	s12 =	sadd.s32 $0x100, s12;
	s14 =	sadd.s32 $0x80, s14;
	s13 =	sadd.s32 $0x80, s13  }
0x127: {  	p0 =	sne.s32 s15, $0x2780;
	s16 =	smov.u32 s15;
	s15 =	sadd.s32 $0x80, s15;
	v0 =	vld [tilespmem:s13+$0xFFFFFFD0]  }
0x128: {  	_ =	sdelay $0x1  }
0x129: {  	s18 =	sand.u32 $0x7800, s12;
	s16 =	sand.u32 $0x380, s16  }
0x12a: {  	s16 =	sor.u32 s16, s18  }
0x12b: {  	[tilespmem:s16+$0x14300] =	vst v0  }
0x12c: {  	v0 =	vld [tilespmem:s13+$0xFFFFFFE0];
	_ =	sdelay $0x3  }
0x12d: {  	s18 =	sadd.s32 $0x14300, s16  }
0x12e: {  	[tilespmem:s18+$0x10] =	vst v0  }
0x12f: {  	v0 =	vld [tilespmem:s13+$0xFFFFFFF0];
	_ =	sdelay $0x4  }
0x130: {  	[tilespmem:s18+$0x20] =	vst v0  }
0x131: {  	v0 =	vld [tilespmem:s13+$0x0];
	_ =	sdelay $0x4  }
0x132: {  	[tilespmem:s18+$0x30] =	vst v0  }
0x133: {  	v0 =	vld [tilespmem:s21+$0xFFFFFFF0];
	_ =	sdelay $0x4  }
0x134: {  	[tilespmem:s18+$0x40] =	vst v0  }
0x135: {  	v0 =	vld [tilespmem:s21+$0x0];
	_ =	sdelay $0x4  }
0x136: {  	[tilespmem:s18+$0x50] =	vst v0  }
0x137: {  	v0 =	vld [tilespmem:s14+$0xFFFFFFD0];
	_ =	sdelay $0x4  }
0x138: {  	[tilespmem:s18+$0x60] =	vst v0  }
0x139: {  	v0 =	vld [tilespmem:s14+$0xFFFFFFE0];
	_ =	sdelay $0x4  }
0x13a: {  	[tilespmem:s18+$0x70] =	vst v0  }
0x13b: {  	v0 =	vld [tilespmem:s14+$0xFFFFFFF0];
	_ =	sdelay $0x4  }
0x13c: {  	[tilespmem:s16+$0x14700] =	vst v0  }
.Ltmp3:
0x13d: {  	v0 =	vld [tilespmem:s14+$0x0];
	(pc) =	sbr.rel @p0 .LBB2_8-.Ltmp3, $2  }
0x13e: {  	_ =	sdelay $0x2  }
0x13f: {  	s21 =	sadd.s32 $0x80, s21;
	s16 =	sadd.s32 $0x14700, s16  }
0x140: {  	[tilespmem:s16+$0x10] =	vst v0;
	s12 =	simm.s32 $0x14300;
	s11 =	sadd.s32 $0x1, s11  }
0x141: {  	[hbm4b:s19+s2] =	stream.linear.scatter [tilespmem:s12], [sflag:$0x6], $0x5000, $0x38;
	[tilespmem:$0x19300] =	vst v63  }
0x142: {  	p0 =	sne.s32 s11, s20;
	_ =	swait.ge [sflag:s29], $0x5000  }
.Ltmp4:
0x143: {  	[sflag:s29] =	ssyncset.done $0x0;
	(pc) =	sbr.rel @p0 .LBB2_1-.Ltmp4, $4  }
0x144: {  	[sflag:s29] =	ssyncadd.s32 $0xFFFFB000  }
0x145: {  	_ =	swait.ge [sflag:s30], $0x5000  }
0x146: {  	[sflag:s30] =	ssyncset.done $0x0  }
0x147: {  	[sflag:s30] =	ssyncadd.s32 $0xFFFFB000  }
0x148: {  	_ =	sfence.sel $0x180000  }
0x149: {  	[bflag:$0x0] =	sbarrier.arrive $0xFFFF  }
0x14a: {  	_ =	strace $0x90000047  }
0x14b: {  	s0 =	stileid.u32;
	[bflag:$0x2] =	sbarrier.arrive $0xFFFF  }
0x14c: {  	p0 =	sne.s32 s0, $0x0;
	s0 =	rddreg [dreg:$0x1]  }
0x14d: {  	s0 =	sadd.s32 @!p0 $0x100000, s0  }
0x14e: {  	[sflag:s0] =	ssyncadd.tile.s32 @!p0 $0x1;
	_ =	shalt  }
.Lfunc_end2:
_tile_overlayer_lowered:
.L_overlay_start_2:
0x14f: {  	(tag) =	ssettag $0x2  }
0x150: {  	s0 =	rddreg [dreg:$0x0];
	s2 =	stileid.u32  }
0x151: {  	s1 =	rddreg [dreg:$0x1];
	p0 =	sne.s32 s2, $0x0  }
0x152: {  	s3 =	rddreg [dreg:$0x2];
	[bflag:$0x3] =	sbarrier.arrive $0xFFFF;
	s2 =	simm.s32 @!p0 $0x1C07  }
0x153: {  	[timem:s3], [sflag:s2] =	dma.local @!p0 [hbm:s0], s1  }
0x154: {  	s0 =	simm.s32 @!p0 $0x7  }
0x155: {  	_ =	swait.ge @!p0 [sflag:s0], s1  }
0x156: {  	s1 =	ssub.s32 @!p0 $0x0, s1;
	[sflag:s0] =	ssyncset.done @!p0 $0x0  }
0x157: {  	[sflag:s0] =	ssyncadd.s32 @!p0 s1  }
0x158: {  	[bflag:$0x3] =	sbarrier.arrive $0xFFFF  }
0x159: {  	_ =	shalt  }

// kernel: sparse-core-data-format-call.cloned.1.call-start
scs
called_computation_lowered:
.L_overlay_start_0:
0x0: {  	s2 =	sld [smem:$0x3FD9]  }
0x1: {  	s3 =	sld [smem:$0x3FFE];
	_ =	sdelay $0x1  }
0x2: {  	s1 =	srdreg.scid  }
0x3: {  	s0 =	sand.u32 $0x1, s1  }
0x4: {  	s18 =	sshll.u32 s0, $0xA;
	s2 =	sadd.s32 s3, s2  }
0x5: {  	s2 =	sadd.s32 s2, s18  }
0x6: {  	[smem:$0x3FC2] =	sst s2  }
0x7: {  	_ = 	snop  }
0x8: {  	s2 =	sld [smem:$0x3FD0];
	(tm) =	ssettm $0x1  }
0x9: {  	s19 =	sld [smem:$0x3FFB];
	_ =	sdelay $0x3  }
0xa: {  	_ =	strace s19  }
0xb: {  	s3 =	sld [smem:$0x3FFC];
	_ =	sdelay $0x3  }
0xc: {  	_ =	strace s3  }
0xd: {  	s3 =	sld [smem:$0x3FFD];
	_ =	sdelay $0x3  }
0xe: {  	_ =	strace s3  }
0xf: {  	_ =	strace $0x8FFFFFFF  }
0x10: {  	s20 =	sld [smem:$0x3FDB];
	_ =	sdelay $0x1  }
0x11: {  	s4 =	simm.s32 $_scs_section_size  }
0x12: {  	s5 =	simm.s32 $_size__tile_overlayer_lowered;
	s6 =	simm.s32 $_tile_overlayer_lowered  }
0x13: {  	s23 =	simm.s32 $0x1BFF;
	s22 =	sshll.u32 s6, $0x1;
	s3 =	sadd.s32 s4, s20  }
0x14: {  	s7 =	simm.s32 $0x0;
	s21 =	sshll.u32 s5, $0x1;
	s5 =	sadd.s32 s22, s3  }
0x15: {  	[timem:s7], [sflag:s23] =	dma.local [hbm:s5], s21  }
0x16: {  	_ =	swait.ge [sflag:s23], s21  }
0x17: {  	s4 =	ssub.s32 $0x0, s21;
	[sflag:s23] =	ssyncset.done $0x0  }
0x18: {  	[sflag:s23] =	ssyncadd.s32 s4;
	_ =	sdelay $0x1  }
0x19: {  	s24 =	simm.s32 $0x1B8B  }
0x1a: {  	_ =	swait.ge [sflag:s24], $0x1  }
0x1b: {  	[sflag:s24] =	ssyncset.done $0x0  }
0x1c: {  	s26 =	simm.s32 $0x1B8E;
	s25 =	sld [smem:$0x3FFE];
	[sflag:s24] =	ssyncadd.s32 $0xFFFFFFFF  }
0x1d: {  	s27 =	simm.s32 $execute0_lowered;
	[smem:$0x3FD2] =	sst s26  }
0x1e: {  	s5 =	sshll.u32 s27, $0x1;
	_ =	strace $0x80000049;
	[dreg:$0x1] =	wrdreg $0xFFFFFFFF  }
0x1f: {  	s28 =	simm.s32 $_size_execute0_lowered;
	s3 =	sadd.s32 s3, s5;
	[dreg:$0x0] =	wrdreg $0x0  }
0x20: {  	s5 =	sshll.u32 s28, $0x1;
	[dreg:$0x2] =	wrdreg s3  }
0x21: {  	[dreg:$0x3] =	wrdreg s5  }
0x22: {  	[dreg:$0x4] =	wrdreg $0xC0  }
0x23: {  	_ =	task [dreg:s7], $0x5FFFF  }
0x24: {  	[dreg:$0x1] =	wrdreg $0xFFFFFFFF  }
0x25: {  	[dreg:$0x0] =	wrdreg $0x60  }
0x26: {  	[dreg:$0x2] =	wrdreg s25  }
0x27: {  	[dreg:$0x3] =	wrdreg s2  }
0x28: {  	[dreg:$0x4] =	wrdreg $0x9  }
0x29: {  	_ =	task.clear_ibuf [dreg:s7], $0x5FFFF;
	_ =	strace $0x90000049  }
0x2a: {  	s29 =	simm.s32 $0x9;
	_ =	strace $0x8000004B  }
0x2b: {  	_ =	swait.ge [sflag:s29], $0x1  }
0x2c: {  	[sflag:s29] =	ssyncadd.s32 $0xFFFFFFFF  }
0x2d: {  	_ =	strace $0x9000004B  }
0x2e: {  	_ =	sfence  }
0x2f: {  	s30 =	sld [smem:$0x0];
	_ =	sdelay $0x2  }
0x30: {  	s31 =	sshll.u32 s1, $0xD;
	s1 =	sshrl.u32 s1, $0x2  }
0x31: {  	s3 =	sand.u32 $0x4000, s31;
	s1 =	sadd.s32 s1, s30  }
0x32: {  	s0 =	sor.u32 s3, s0;
	s1 =	sshll.u32 s1, $0x11  }
0x33: {  	s0 =	sor.u32 s1, s0  }
0x34: {  	s0 =	sadd.s32 $0x8F2B, s0  }
0x35: {  	[sflag:s0] =	ssyncadd.remote.s32 $0x1  }
0x36: {  	_ =	sfence.sel $0xFFFF  }
0x37: {  	[dreg:$0x0] =	wrdreg $0xFFFFFFFF;
	(pc) =	sbr.abs _section_cstart, $3  }
0x38: {  	[dreg:$0x1] =	wrdreg $0xFFFFFFFF  }
0x39: {  	_ =	task.clear_ibuf [dreg:s7], $0x2FFFF;
	_ =	strace $0x9FFFFFFF  }
0x3a: {  	(tm) =	ssettm $0x7FFFFFFF  }
0x3b: {  	_ =	shalt  }
tec
execute0_lowered:
.L_overlay_start_1:
0x0: {  	(tag) =	ssettag $0x1  }
0x1: {  	s0 =	srdreg.scid;
	s6 =	rddreg [dreg:$0x0]  }
0x2: {  	s3 =	rddreg [dreg:$0x1];
	s1 =	sshll.u32 s0, $0x4  }
0x3: {  	s5 =	simm.s32 $0x1;
	s0 =	stileid.u32;
	s1 =	sand.u32 $0x10, s1  }
0x4: {  	s31 =	simm.s32 $0x2;
	s16 =	simm.s32 $0x0;
	s1 =	sor.u32 s0, s1  }
0x5: {  	s8 =	simm.s32 $0x8000;
	s18 =	simm.s32 $0x0;
	s2 =	sshll.u32 s1, $0x7  }
0x6: {  	s17 =	simm.s32 $0x0;
	s9 =	simm.s32 $0x0;
	s4 =	ssub.s32 $0x1000, s2  }
0x7: {  	s10 =	simm.s32 $0x0;
	s11 =	simm.s32 $0x0;
	s30 =	sand.u32 $0xF80, s4  }
0x8: {  	s12 =	simm.s32 $0x0;
	s13 =	simm.s32 $0x0;
	p0 =	sne.s32 s30, $0x0  }
.Ltmp0:
0x9: {  	s7 =	sshrl.u32 s4, $0xC;
	s5 =	simm.s32 @!p0 $0x0;
	(pc) =	sbr.rel .LBB1_1-.Ltmp0, $4  }
0xa: {  	s15 =	simm.s32 $0x0;
	s1 =	rddreg [dreg:$0x2];
	s5 =	sadd.s32 s5, s7  }
0xb: {  	_ =	strace $0x8000004A;
	s4 =	simm.s32 $0x1;
	s5 =	smul.u32 $0x190, s5  }
0xc: {  	s6 =	sadd.s32 $0x1118800, s6;
	s14 =	smov.u32 s2;
	[sflag:s4] =	ssyncpa.u1 $0x0  }
0xd: {  	[sflag:s31] =	ssyncpa.u1 $0x0;
	p0 =	por $0x0, $0x0;
	s7 =	sor.u32 $0x1, s5  }
.LBB1_4:
0xe: {  	s23 =	sshra.s32 s23, $0x2;
	s30 =	sshll.u32 s9, $0xC  }
0xf: {  	p1 =	sgt.s32 s10, $0xC7;
	s24 =	smov.u32 s10;
	s25 =	sshra.s32 s10, $0x1F  }
0x10: {  	s26 =	sshll.u32 s11, $0x3;
	s28 =	smov.u32 s11;
	s29 =	sshra.s32 s11, $0x1F  }
0x11: {  	s22 =	sadd.s32 s23, s22;
	s24 =	simm.s32 @!p1 $0xC7;
	s25 =	sand.u32 s25, s10  }
0x12: {  	s23 =	sand.u32 $0xFFFF8000, s30;
	s27 =	sand.u32 $0xFFFFFC00, s26;
	p1 =	sgt.s32 s9, $0x20  }
0x13: {  	s31 =	sand.u32 s29, s11;
	s29 =	sshll.u32 s9, $0x7;
	s30 =	sshra.s32 s9, $0x1F  }
0x14: {  	[tilespmem:s21+$0x2040 ss:$0x81] =	vst.msk $0xffff, v4;
	s24 =	ssub.s32 s24, s25;
	s23 =	sadd.s32 s27, s23;
	s27 =	smov.u32 s9  }
0x15: {  	[tilespmem:s21+$0x2850 ss:$0x81] =	vst.msk $0xffff, v3;
	s29 =	sand.u32 $0x380, s29;
	s25 =	sadd.s32 $0xFFFFFF39, s24;
	s27 =	simm.s32 @!p1 $0x20  }
0x16: {  	v5 =	vld [tilespmem:s20+$0xFFFFFFD0];
	[tilespmem:s21+$0x3060 ss:$0x81] =	vst.msk $0xffff, v2;
	p1 =	sgt.s32 s11, $0xF80;
	s23 =	sshrl.u32 s23, $0xC;
	s24 =	ssub.s32 $0xC8, s24  }
0x17: {  	v58 =	vld [tilespmem:s20+$0xFFFFFFE0];
	[tilespmem:s21+$0x0 ss:$0x81] =	vst.msk $0xffff, v1;
	s28 =	simm.s32 @!p1 $0xF80;
	p1 =	sgt.s32 s25, $0x0;
	s21 =	smulhi.u32 $0x199999A, s23  }
0x18: {  	v59 =	vld [tilespmem:s20+$0xFFFFFFF0];
	s25 =	ssub.s32 s28, s31;
	s28 =	sand.u32 s30, s9;
	s24 =	simm.s32 @p1 $0x0  }
0x19: {  	v60 =	vld [tilespmem:s20+$0x0];
	s27 =	ssub.s32 s27, s28;
	s31 =	sadd.s32 $0xFFFFF080, s25;
	s25 =	ssub.s32 $0x1000, s25  }
0x1a: {  	v61 =	vld [tilespmem:s20+$0x10];
	[tilespmem:s22+$0x3870 ss:$0x81] =	vst.msk $0xffff, v0;
	s21 =	smul.u32 $0xA0, s21;
	s28 =	sand.u32 $0x7, s11;
	p1 =	sgt.s32 s31, $0x7F  }
0x1b: {  	v62 =	vld [tilespmem:s20+$0x20];
	[tilespmem:s22+$0x810 ss:$0x81] =	vst.msk $0xffff, v5;
	s30 =	sadd.s32 $0xFFFFFFE0, s27;
	s31 =	sand.u32 $0x78, s11;
	s25 =	simm.s32 @p1 $0x0  }
0x1c: {  	v63 =	vld [tilespmem:s20+$0xFFFFFFC0];
	[tilespmem:s22+$0x1020 ss:$0x81] =	vst.msk $0xffff, v58;
	p1 =	sgt.s32 s30, $0x7F;
	s30 =	sand.u32 $0xC00, s26;
	s24 =	smul.u32 s25, s24  }
0x1d: {  	[tilespmem:s22+$0x1830 ss:$0x81] =	vst.msk $0xffff, v59;
	s26 =	ssub.s32 $0xA0, s27;
	s20 =	sor.u32 s31, s30;
	s31 =	smul.u32 $0x14000, s10  }
0x1e: {  	[tilespmem:s22+$0x2040 ss:$0x81] =	vst.msk $0xffff, v60;
	s21 =	ssub.s32 s23, s21;
	s26 =	simm.s32 @p1 $0x0;
	s20 =	sor.u32 s29, s20  }
0x1f: {  	[tilespmem:s22+$0x2850 ss:$0x81] =	vst.msk $0xffff, v61;
	s26 =	smul.u32 s26, s24;
	s20 =	sshrl.u32 s20, $0x3;
	s27 =	sadd.s32 s3, s31  }
0x20: {  	[tilespmem:s22+$0x3060 ss:$0x81] =	vst.msk $0xffff, v62;
	s21 =	sshll.u32 s21, $0x9;
	s29 =	sshll.u32 s28, $0x12;
	s20 =	sadd.s32 s20, s27  }
0x21: {  	[tilespmem:s22+$0x0 ss:$0x81] =	vst.msk $0xffff, v63;
	s31 =	sor.u32 $0x400, s29;
	s30 =	sand.u32 $0x3FFFFFFF, s26;
	s20 =	sadd.s32 s21, s20  }
0x22: {  	[hbm4b:s20+s31] =	stream.strided.scatter [tilespmem:s19], [sflag:$0x2], s30, s8, s31, $0x20;
	[tilespmem:$0x10100] =	vst v63  }
.LBB1_5:
0x23: {  	p1 =	slt.u32 s15, $0x2  }
0x24: {  	p2 =	sgt.s32 @!p1 s18, $0xC7  }
0x25: {  	s19 =	smov.u32 s18;
	s20 =	sshra.s32 @!p1 s18, $0x1F;
	p2 =	por !p2, p1  }
0x26: {  	s18 =	sand.u32 @!p1 s20, s18;
	s19 =	simm.s32 @p2 $0xC7  }
0x27: {  	p3 =	sgt.s32 @!p1 s16, $0x20;
	s18 =	ssub.s32 @!p1 s19, s18  }
0x28: {  	p4 =	sgt.s32 @!p1 s17, $0xF80;
	s21 =	sshra.s32 @!p1 s17, $0x1F;
	s19 =	sadd.s32 @!p1 $0xFFFFFF39, s18  }
0x29: {  	s20 =	smov.u32 s16;
	p2 =	sgt.s32 @!p1 s19, $0x0;
	s19 =	sshra.s32 @!p1 s16, $0x1F  }
0x2a: {  	p4 =	por !p4, p1;
	s16 =	sand.u32 @!p1 s19, s16;
	s19 =	smov.u32 s17  }
0x2b: {  	p3 =	por !p3, p1;
	s17 =	sand.u32 @!p1 s21, s17;
	s19 =	simm.s32 @p4 $0xF80  }
0x2c: {  	s20 =	simm.s32 @p3 $0x20;
	s18 =	ssub.s32 @!p1 $0xC8, s18;
	s17 =	ssub.s32 @!p1 s19, s17  }
0x2d: {  	p2 =	por !p2, p1;
	s16 =	ssub.s32 @!p1 s20, s16;
	s20 =	sadd.s32 @!p1 $0xFFFFF080, s17  }
0x2e: {  	s18 =	simm.s32 @!p2 $0x0;
	p3 =	sgt.s32 @!p1 s20, $0x7F  }
0x2f: {  	s19 =	sadd.s32 @!p1 $0xFFFFFFE0, s16;
	s17 =	ssub.s32 @!p1 $0x1000, s17;
	p3 =	por !p3, p1  }
0x30: {  	p2 =	sgt.s32 @!p1 s19, $0x7F;
	s19 =	sadd.s32 $0x80, s12;
	s17 =	simm.s32 @!p3 $0x0  }
0x31: {  	p3 =	sgt.s32 s19, $0x9F;
	s17 =	smul.u32 @!p1 s17, s18;
	s18 =	simm.s32 $0x1  }
0x32: {  	s16 =	ssub.s32 @!p1 $0xA0, s16;
	p2 =	por !p2, p1;
	s18 =	simm.s32 @!p3 $0x0  }
0x33: {  	s21 =	smov.u32 s14;
	s16 =	simm.s32 @!p2 $0x0;
	s20 =	sadd.s32 s18, s13  }
0x34: {  	s16 =	smul.u32 @!p1 s16, s17;
	s17 =	sadd.s32 $0x1000, s14;
	p2 =	sgt.s32 s20, $0xC7  }
0x35: {  	p0 =	por !p0, !p0;
	s22 =	simm.s32 @!p1 $0x2;
	s21 =	smov.u32 @p2 s17  }
0x36: {  	s19 =	simm.s32 @p3 $0x0;
	s20 =	simm.s32 @p2 $0x0;
	p2 =	sgt.s32 s21, $0xFFF  }
0x37: {  	s18 =	smov.u32 s10;
	s21 =	smov.u32 @p2 s2;
	p2 =	sne.s32 s15, s7  }
.Ltmp1:
0x38: {  	s10 =	smov.u32 s13;
	s16 =	sand.u32 @!p1 $0x3FFFFFFF, s16;
	(pc) =	sbr.rel @!p2 .LBB1_6-.Ltmp1, $4  }
0x39: {  	s17 =	smov.u32 s11;
	s11 =	smov.u32 s14;
	_ =	swait.ge @!p1 [sflag:s22], s16  }
0x3a: {  	s23 =	ssub.s32 @!p1 $0x0, s16;
	s16 =	smov.u32 s9;
	s9 =	smov.u32 s12  }
0x3b: {  	s12 =	smov.u32 s19;
	s13 =	smov.u32 s20;
	[sflag:s22] =	ssyncset.done @!p1 $0x0  }
0x3c: {  	s15 =	sadd.s32 $0x1, s15;
	[sflag:s22] =	ssyncadd.s32 @!p1 s23;
	s14 =	smov.u32 s21  }
.LBB1_1:
0x3d: {  	p1 =	sge.u32 s15, s5  }
0x3e: {  	s19 =	sshll.u32 @!p1 s13, $0x8;
	s20 =	sshll.u32 @!p1 s12, $0x3  }
0x3f: {  	s21 =	sshll.u32 @!p1 s13, $0x7;
	s19 =	sand.u32 @!p1 $0xFFFFF800, s19;
	s20 =	sand.u32 @!p1 $0xFFFFFC00, s20  }
0x40: {  	s19 =	sadd.s32 @!p1 s19, s20;
	s20 =	sand.u32 @!p1 $0x300, s21  }
0x41: {  	s19 =	sor.u32 @!p1 s20, s19  }
0x42: {  	s19 =	sshrl.u32 @!p1 s19, $0x8  }
0x43: {  	s31 =	sadd.s32 $0xFFFFFFFF, s15;
	s20 =	smulhi.u32 @!p1 $0x147AE15, s19  }
0x44: {  	s22 =	sxor.u32 @!p1 $0xFFFFFFFF, s15;
	s23 =	sand.u32 @!p1 $0x78, s12;
	s24 =	smul.u32 @!p1 $0x1900, s14  }
0x45: {  	s22 =	sshll.u32 @!p1 s22, $0xE;
	s21 =	sand.u32 @!p1 $0x80, s21;
	s20 =	smul.u32 @!p1 $0xC8, s20  }
0x46: {  	s22 =	sand.u32 @!p1 $0x4000, s22;
	s21 =	sor.u32 @!p1 s23, s21;
	s23 =	sand.u32 @!p1 $0x7, s12  }
0x47: {  	s19 =	ssub.s32 @!p1 s19, s20;
	s20 =	sshrl.u32 @!p1 s21, $0x3;
	s21 =	sadd.s32 @!p1 s6, s24  }
0x48: {  	s19 =	sshll.u32 @!p1 s19, $0x5;
	s20 =	sadd.s32 @!p1 s20, s21;
	s21 =	sshll.u32 @!p1 s23, $0x12  }
0x49: {  	s19 =	sadd.s32 @!p1 s19, s20;
	s20 =	sor.u32 @!p1 $0x80, s21;
	s21 =	simm.s32 @!p1 $0xC800  }
0x4a: {  	[tilespmem:s22], [sflag:$0x1] =	stream.strided.gather @!p1 [hbm4b:s19+s20], $0x4000, s21, s20, $0x38;
	[tilespmem:$0x10100] =	vst v63  }
0x4b: {  	p1 =	sge.u32 s31, s5  }
.Ltmp2:
0x4c: {  	_ = 	snop;
	(pc) =	sbr.rel @p1 .LBB1_5-.Ltmp2, $1  }
0x4d: {  	_ =	sdelay $0x3  }
0x4e: {  	s19 =	simm.s32 $0x1  }
0x4f: {  	_ =	swait.ge [sflag:s4], $0x4000;
	s19 =	simm.s32 @!p0 $0x0  }
0x50: {  	[sflag:s4] =	ssyncset.done $0x0;
	s20 =	sshll.u32 s19, $0xE  }
0x51: {  	[sflag:s4] =	ssyncadd.s32 $0xFFFFC000;
	s20 =	sor.u32 $0x40, s20  }
0x52: {  	s19 =	smul.u32 $0x10200, s19;
	v0 =	vld [tilespmem:s20+$0x30]  }
0x53: {  	v1 =	vld [tilespmem:s20+$0xFFFFFFD0]  }
0x54: {  	s19 =	sshrl.u32 s19, $0x2;
	v5 =	vld [tilespmem:s20+$0xFFFFFFE0]  }
0x55: {  	v6 =	vld [tilespmem:s20+$0xFFFFFFF0];
	s22 =	sor.u32 $0x8000, s19  }
0x56: {  	s31 =	sand.u32 $0x1, s15;
	v4 =	vld [tilespmem:s20+$0x0];
	s21 =	sadd.s32 $0x0, s22  }
0x57: {  	v3 =	vld [tilespmem:s20+$0x10];
	s19 =	smul.u32 $0x10200, s31;
	[tilespmem:s21+$0x3870 ss:$0x81] =	vst.msk $0xffff, v0  }
0x58: {  	v2 =	vld [tilespmem:s20+$0x20];
	[tilespmem:s21+$0x810 ss:$0x81] =	vst.msk $0xffff, v1  }
0x59: {  	s19 =	sshrl.u32 s19, $0x2;
	v1 =	vld [tilespmem:s20+$0xFFFFFFC0];
	[tilespmem:s21+$0x1020 ss:$0x81] =	vst.msk $0xffff, v5;
	s20 =	sadd.s32 $0x80, s20  }
0x5a: {  	s23 =	simm.s32 $0x4;
	s24 =	simm.s32 $0x8;
	s19 =	sor.u32 $0x8000, s19;
	[tilespmem:s21+$0x1830 ss:$0x81] =	vst.msk $0xffff, v6;
	v0 =	vld [tilespmem:s20+$0x30]  }
.LBB1_3:
0x5b: {  	p1 =	sne.s32 s24, $0x1FC;
	v5 =	vld [tilespmem:s20+$0xFFFFFFD0];
	[tilespmem:s21+$0x2040 ss:$0x81] =	vst.msk $0xffff, v4  }
0x5c: {  	v6 =	vld [tilespmem:s20+$0xFFFFFFE0];
	[tilespmem:s21+$0x2850 ss:$0x81] =	vst.msk $0xffff, v3  }
0x5d: {  	s25 =	sshra.s32 s23, $0x2;
	s23 =	smov.u32 s24;
	v7 =	vld [tilespmem:s20+$0xFFFFFFF0];
	[tilespmem:s21+$0x3060 ss:$0x81] =	vst.msk $0xffff, v2  }
.Ltmp3:
0x5e: {  	v4 =	vld [tilespmem:s20+$0x0];
	[tilespmem:s21+$0x0 ss:$0x81] =	vst.msk $0xffff, v1;
	s21 =	sadd.s32 s25, s22;
	(pc) =	sbr.rel @p1 .LBB1_3-.Ltmp3, $4  }
0x5f: {  	v3 =	vld [tilespmem:s20+$0x10];
	[tilespmem:s21+$0x3870 ss:$0x81] =	vst.msk $0xffff, v0  }
0x60: {  	[tilespmem:s21+$0x810 ss:$0x81] =	vst.msk $0xffff, v5;
	v2 =	vld [tilespmem:s20+$0x20]  }
0x61: {  	v1 =	vld [tilespmem:s20+$0xFFFFFFC0];
	[tilespmem:s21+$0x1020 ss:$0x81] =	vst.msk $0xffff, v6;
	s20 =	sadd.s32 $0x80, s20  }
0x62: {  	s24 =	sadd.s32 $0x4, s24;
	v0 =	vld [tilespmem:s20+$0x30];
	[tilespmem:s21+$0x1830 ss:$0x81] =	vst.msk $0xffff, v7  }
.Ltmp4:
0x63: {  	_ = 	snop;
	(pc) =	sbr.rel .LBB1_4-.Ltmp4, $1  }
0x64: {  	_ =	sdelay $0x3  }
.LBB1_6:
0x65: {  	_ =	sfence.sel $0x180000  }
0x66: {  	s2 =	simm.s32 $0x1;
	[bflag:$0x0] =	sbarrier.arrive $0xFFFF  }
0x67: {  	s31 =	simm.s32 $0x2;
	[sflag:s2] =	ssyncpa.u1 $0x1  }
0x68: {  	[sflag:s31] =	ssyncpa.u1 $0x1  }
0x69: {  	p0 =	sne.s32 s0, $0x0;
	_ =	strace $0x9000004A  }
0x6a: {  	s0 =	sadd.s32 @!p0 $0x100000, s1;
	[bflag:$0x2] =	sbarrier.arrive $0xFFFF  }
0x6b: {  	[sflag:s0] =	ssyncadd.tile.s32 @!p0 $0x1;
	_ =	shalt  }
.Lfunc_end1:
_tile_overlayer_lowered:
.L_overlay_start_2:
0x6c: {  	(tag) =	ssettag $0x2  }
0x6d: {  	s0 =	rddreg [dreg:$0x0];
	s2 =	stileid.u32  }
0x6e: {  	s1 =	rddreg [dreg:$0x1];
	p0 =	sne.s32 s2, $0x0  }
0x6f: {  	s3 =	rddreg [dreg:$0x2];
	[bflag:$0x3] =	sbarrier.arrive $0xFFFF;
	s2 =	simm.s32 @!p0 $0x1C01  }
0x70: {  	[timem:s3], [sflag:s2] =	dma.local @!p0 [hbm:s0], s1  }
0x71: {  	s0 =	simm.s32 @!p0 $0x1  }
0x72: {  	_ =	swait.ge @!p0 [sflag:s0], s1  }
0x73: {  	s1 =	ssub.s32 @!p0 $0x0, s1;
	[sflag:s0] =	ssyncset.done @!p0 $0x0  }
0x74: {  	[sflag:s0] =	ssyncadd.s32 @!p0 s1  }
0x75: {  	[bflag:$0x3] =	sbarrier.arrive $0xFFFF  }
0x76: {  	_ =	shalt  }

</sc_bundles>
